<compile_context>
chip_gen: v7x
topology: tpu7x:2x2x1
jax: 0.10.2.dev20260603
libtpu: 0.0.44.dev20260713+nightly
codegen_flags: <defaults>
</compile_context>

<pallas_src>
import functools

import jax
import jax.numpy as jnp
from jax import lax
from jax.experimental import pallas as pl
from jax.experimental.pallas import tpu as pltpu
from jax.experimental.pallas import tpu_sc as plsc


@functools.partial(jax.jit, static_argnums=(2, 3, 4))
def _sc_gather_t(table, idx, B, H, D):
    info = plsc.get_sparse_core_info()
    NC, NS = info.num_cores, info.num_subcores
    NW = NC * NS
    R = D // 8
    CB = B // 128
    G = CB // 4
    UNITS = H * G
    UPW = UNITS // NW
    C = 512
    HSTRIDE = R * CB * 1024
    RSTRIDE = CB * 1024

    mesh = plsc.VectorSubcoreMesh(core_axis_name="c", subcore_axis_name="s")

    @functools.partial(
        pl.kernel,
        mesh=mesh,
        out_type=jax.ShapeDtypeStruct((B * H * D,), jnp.float32),
        scratch_types=[
            pltpu.VMEM((UPW * C,), jnp.int32),
            pltpu.VMEM((C, D), jnp.float32),
            pltpu.VMEM((C, D), jnp.float32),
            pltpu.VMEM((C * D,), jnp.float32),
            pltpu.VMEM((C * D,), jnp.float32),
            pltpu.SemaphoreType.DMA,
            pltpu.SemaphoreType.DMA,
            pltpu.SemaphoreType.DMA,
            pltpu.SemaphoreType.DMA,
        ],
        compiler_params=pltpu.CompilerParams(
            use_tc_tiling_on_sc=False, needs_layout_passes=False),
    )
    def k(table_hbm, idx_hbm, out_hbm, idx_all, rows0, rows1, tr0, tr1,
          sg0, sg1, sw0, sw1):
        w = lax.axis_index("s") * NC + lax.axis_index("c")
        base_u = w * UPW
        pltpu.sync_copy(idx_hbm.at[pl.ds(w * (UPW * C), UPW * C)], idx_all)

        iota = lax.iota(jnp.int32, 16)

        rows = [rows0, rows1]
        trs = [tr0, tr1]
        sg = [sg0, sg1]
        sw = [sw0, sw1]

        def gather_desc(t, b):
            return pltpu.make_async_copy(
                table_hbm.at[idx_all.at[pl.ds(t * C, C)]], rows[b], sg[b])

        def write_descs(t, b):
            u = base_u + t
            h = u >> 5
            g = u & (G - 1)
            ds_ = []
            for r in range(R):
                flat0 = h * HSTRIDE + r * RSTRIDE + g * 4096
                ds_.append(pltpu.make_async_copy(
                    trs[b].at[pl.ds(r * 4096, 4096)],
                    out_hbm.at[pl.ds(flat0, 4096)], sw[b]))
            return ds_

        def transpose_unit(rows_b, tr_b):
            def abody(a, carry):
                colv = (iota + a) & 31
                storepat = ((colv >> 3) << 12) + ((colv & 7) << 7) + iota

                def body(blk, c2):
                    row_ids = iota + (blk << 4)
                    vals = plsc.load_gather(rows_b, [row_ids, colv])
                    sconst = ((blk >> 3) << 10) + ((blk & 7) << 4)
                    plsc.store_scatter(tr_b, [storepat + sconst], vals)
                    return c2

                lax.fori_loop(0, C // 16, body, 0, unroll=16)
                return carry

            lax.fori_loop(0, D, abody, 0, unroll=2)

        gather_desc(0, 0).start()

        def step(s, carry):
            for b in range(2):
                t = 2 * s + b
                nb = 1 - b
                @pl.when(t + 1 < UPW)
                def _():
                    gather_desc(t + 1, nb).start()
                gather_desc(t, b).wait()
                @pl.when(t >= 2)
                def _():
                    for d_ in write_descs(t - 2, b):
                        d_.wait()
                transpose_unit(rows[b], trs[b])
                for d_ in write_descs(t, b):
                    d_.start()
            return carry

        lax.fori_loop(0, UPW // 2, step, 0)
        for d_ in write_descs(UPW - 2, 0):
            d_.wait()
        for d_ in write_descs(UPW - 1, 1):
            d_.wait()

    return k(table, idx)


def kernel(X, table):
    B, H = X.shape
    V, D = table.shape
    idx = X.T.reshape(B * H).astype(jnp.int32)
    out_flat = _sc_gather_t(table, idx, B, H, D)
    R = D // 8
    CB = B // 128
    out = (out_flat.reshape(H, R, CB, 8, 128)
           .transpose(2, 4, 0, 1, 3)
           .reshape(B, H, D))
    return out

# --- scband reference (transcript-rebuilt; emitter-appended) ---
"""Pipeline reference for scband-embed-model-75333726372040 (READ-ONLY COPY).

The authoritative reference and input builder live on the scoring server;
editing this copy changes nothing except your own understanding.
"""

import jax, jax.numpy as jnp
import numpy as np

VOCAB = 1000000
EMBED_DIM = 32
BATCH = 16384
HIST = 50

def setup_inputs(seed: int = 0) -> dict:
    key = jax.random.key(seed)
    k1, k2 = jax.random.split(key)
    X = jax.random.randint(k1, (BATCH, HIST), 0, VOCAB, dtype=jnp.int64)
    table = jax.random.normal(k2, (VOCAB, EMBED_DIM), dtype=jnp.float32)
    return {"X": X, "table": table}

def reference(X, table):
    # nn.Embedding forward: gather rows of the table by index
    return jnp.take(table, X, axis=0)

if __name__ == "__main__":
    import jax
    _d = setup_inputs()
    print(jax.jit(kernel)(*tuple(_d.values())))

</pallas_src>

<mosaic_0001>
#map = affine_map<(d0, d1) -> (0, 0)>
#map1 = affine_map<(d0, d1) -> (0)>
module attributes {stable_mosaic.version = 14 : i64} {
  func.func @k(%arg0: i32, %arg1: i32, %arg2: memref<1000000x32xf32, #tpu.memory_space<hbm>>, %arg3: memref<819200xi32, #tpu.memory_space<hbm>>, %arg4: memref<26214400xf32, #tpu.memory_space<hbm>>, %arg5: memref<25600xi32, #tpu.memory_space<vmem>>, %arg6: memref<512x32xf32, #tpu.memory_space<vmem>>, %arg7: memref<512x32xf32, #tpu.memory_space<vmem>>, %arg8: memref<16384xf32, #tpu.memory_space<vmem>>, %arg9: memref<16384xf32, #tpu.memory_space<vmem>>, %arg10: memref<!tpu.dma_semaphore, #tpu.memory_space<semaphore_mem>>, %arg11: memref<!tpu.dma_semaphore, #tpu.memory_space<semaphore_mem>>, %arg12: memref<!tpu.dma_semaphore, #tpu.memory_space<semaphore_mem>>, %arg13: memref<!tpu.dma_semaphore, #tpu.memory_space<semaphore_mem>>) attributes {dimension_semantics = [#tpu.dimension_semantics<core_parallel>, #tpu.dimension_semantics<subcore_parallel>], iteration_bounds = array<i64: 2, 16>, scalar_prefetch = 0 : i64, scratch_operands = 9 : i64, tpu.core_type = #tpu.core_type<sc_vector_subcore>, window_params = [{transform_indices = #map}, {transform_indices = #map1}, {transform_indices = #map1}]} {
    %mul3A = arith.constant 2 : i32
    %mul3A_0 = arith.muli %arg1, %mul3A : i32
    %add3A = arith.addi %mul3A_0, %arg0 : i32
    %mul3A_1 = arith.constant 50 : i32
    %mul3A_2 = arith.muli %add3A, %mul3A_1 : i32
    %mul3A_3 = arith.constant 25600 : i32
    %mul3A_4 = arith.muli %add3A, %mul3A_3 : i32
    "tpu.region"() ({
      %run_scoped3A = tpu.sem_alloc : memref<!tpu.dma_semaphore, #tpu.memory_space<semaphore_mem>>
      %dma_start3A_127 = tpu.memref_slice %arg3[%mul3A_4] : memref<819200xi32, #tpu.memory_space<hbm>> -> memref<25600xi32, #tpu.memory_space<hbm>>
      %dma_start3A_128 = tpu.memref_slice %arg3[%mul3A_4] : memref<819200xi32, #tpu.memory_space<hbm>> -> memref<25600xi32, #tpu.memory_space<hbm>>
      tpu.enqueue_dma source(%dma_start3A_128 : memref<25600xi32, #tpu.memory_space<hbm>>) target(%arg5 : memref<25600xi32, #tpu.memory_space<vmem>>) target_semaphore(%run_scoped3A : memref<!tpu.dma_semaphore, #tpu.memory_space<semaphore_mem>>)
      %dma_wait3A_129 = tpu.memref_slice %arg3[%mul3A_4] : memref<819200xi32, #tpu.memory_space<hbm>> -> memref<25600xi32, #tpu.memory_space<hbm>>
      %dma_wait3A_130 = tpu.memref_slice %arg3[%mul3A_4] : memref<819200xi32, #tpu.memory_space<hbm>> -> memref<25600xi32, #tpu.memory_space<hbm>>
      tpu.wait_dma2 semaphore(%run_scoped3A : memref<!tpu.dma_semaphore, #tpu.memory_space<semaphore_mem>>) src(%dma_wait3A_130 : memref<25600xi32, #tpu.memory_space<hbm>>) dst(%arg5 : memref<25600xi32, #tpu.memory_space<vmem>>)
      tpu.yield
    }) : () -> ()
    %iota3A = tpu.iota {dimensions = array<i32: 0>} : vector<16xi32>
    %dma_start3A = arith.constant 0 : i32
    %dma_start3A_5 = tpu.memref_slice %arg5[%dma_start3A] : memref<25600xi32, #tpu.memory_space<vmem>> -> memref<512xi32, #tpu.memory_space<vmem>>
    %dma_start3A_6 = arith.constant 0 : i32
    %dma_start3A_7 = arith.constant 0 : i32
    %dma_start3A_8 = tpu.memref_slice %arg2[%dma_start3A_6, %dma_start3A_7] : memref<1000000x32xf32, #tpu.memory_space<hbm>> -> memref<1000000x32xf32, #tpu.memory_space<hbm>>
    tpu.enqueue_indirect_dma source(%dma_start3A_8 : memref<1000000x32xf32, #tpu.memory_space<hbm>>) target(%arg6 : memref<512x32xf32, #tpu.memory_space<vmem>>) offsets(%dma_start3A_5 : memref<512xi32, #tpu.memory_space<vmem>>) semaphore(%arg10 : memref<!tpu.dma_semaphore, #tpu.memory_space<semaphore_mem>>)
    %scan3A = arith.constant 0 : i32
    %scan3A_9 = arith.constant 0 : i32
    %scan3A_10 = arith.constant 25 : i32
    %scan3A_11 = arith.addi %scan3A_9, %scan3A_10 : i32
    %scan3A_12 = arith.constant 1 : i32
    scf.for %scan3A_127 = %scan3A_9 to %scan3A_11 step %scan3A_12  : i32 {
      %mul3A_128 = arith.constant 2 : i32
      %mul3A_129 = arith.muli %mul3A_128, %scan3A_127 : i32
      %add3A_130 = arith.constant 0 : i32
      %add3A_131 = arith.addi %mul3A_129, %add3A_130 : i32
      %add3A_132 = arith.constant 1 : i32
      %add3A_133 = arith.addi %add3A_131, %add3A_132 : i32
      %lt3A = arith.constant 50 : i32
      %lt3A_134 = arith.cmpi slt, %add3A_133, %lt3A : i32
      %convert_element_type3A = arith.extui %lt3A_134 : i1 to i32
      %cond3A = arith.constant 0 : i32
      %cond3A_135 = arith.cmpi ne, %convert_element_type3A, %cond3A : i32
      scf.if %cond3A_135 {
        %add3A_294 = arith.constant 1 : i32
        %add3A_295 = arith.addi %add3A_131, %add3A_294 : i32
        %mul3A_296 = arith.constant 512 : i32
        %mul3A_297 = arith.muli %add3A_295, %mul3A_296 : i32
        %dma_start3A_298 = tpu.memref_slice %arg5[%mul3A_297] : memref<25600xi32, #tpu.memory_space<vmem>> -> memref<512xi32, #tpu.memory_space<vmem>>
        %dma_start3A_299 = arith.constant 0 : i32
        %dma_start3A_300 = arith.constant 0 : i32
        %dma_start3A_301 = tpu.memref_slice %arg2[%dma_start3A_299, %dma_start3A_300] : memref<1000000x32xf32, #tpu.memory_space<hbm>> -> memref<1000000x32xf32, #tpu.memory_space<hbm>>
        tpu.enqueue_indirect_dma source(%dma_start3A_301 : memref<1000000x32xf32, #tpu.memory_space<hbm>>) target(%arg7 : memref<512x32xf32, #tpu.memory_space<vmem>>) offsets(%dma_start3A_298 : memref<512xi32, #tpu.memory_space<vmem>>) semaphore(%arg11 : memref<!tpu.dma_semaphore, #tpu.memory_space<semaphore_mem>>)
      } else {
      }
      %mul3A_136 = arith.constant 512 : i32
      %mul3A_137 = arith.muli %add3A_131, %mul3A_136 : i32
      %dma_wait3A_138 = tpu.memref_slice %arg5[%mul3A_137] : memref<25600xi32, #tpu.memory_space<vmem>> -> memref<512xi32, #tpu.memory_space<vmem>>
      %dma_wait3A_139 = arith.constant 0 : i32
      %dma_wait3A_140 = arith.constant 0 : i32
      %dma_wait3A_141 = tpu.memref_slice %arg2[%dma_wait3A_139, %dma_wait3A_140] : memref<1000000x32xf32, #tpu.memory_space<hbm>> -> memref<1000000x32xf32, #tpu.memory_space<hbm>>
      tpu.wait_indirect_dma semaphore(%arg10 : memref<!tpu.dma_semaphore, #tpu.memory_space<semaphore_mem>>) src(%dma_wait3A_141 : memref<1000000x32xf32, #tpu.memory_space<hbm>>) dst(%arg6 : memref<512x32xf32, #tpu.memory_space<vmem>>)
      %ge3A = arith.constant 2 : i32
      %ge3A_142 = arith.cmpi sge, %add3A_131, %ge3A : i32
      %convert_element_type3A_143 = arith.extui %ge3A_142 : i1 to i32
      %cond3A_144 = arith.constant 0 : i32
      %cond3A_145 = arith.cmpi ne, %convert_element_type3A_143, %cond3A_144 : i32
      scf.if %cond3A_145 {
        %sub3A = arith.constant 2 : i32
        %sub3A_294 = arith.subi %add3A_131, %sub3A : i32
        %add3A_295 = arith.addi %mul3A_2, %sub3A_294 : i32
        %shift_right_arithmetic3A_296 = arith.constant 5 : i32
        %shift_right_arithmetic3A_297 = arith.shrsi %add3A_295, %shift_right_arithmetic3A_296 : i32
        %and3A_298 = arith.constant 31 : i32
        %and3A_299 = arith.andi %add3A_295, %and3A_298 : i32
        %mul3A_300 = arith.constant 524288 : i32
        %mul3A_301 = arith.muli %shift_right_arithmetic3A_297, %mul3A_300 : i32
        %add3A_302 = arith.constant 0 : i32
        %add3A_303 = arith.addi %mul3A_301, %add3A_302 : i32
        %mul3A_304 = arith.constant 4096 : i32
        %mul3A_305 = arith.muli %and3A_299, %mul3A_304 : i32
        %add3A_306 = arith.addi %add3A_303, %mul3A_305 : i32
        %mul3A_307 = arith.constant 524288 : i32
        %mul3A_308 = arith.muli %shift_right_arithmetic3A_297, %mul3A_307 : i32
        %add3A_309 = arith.constant 131072 : i32
        %add3A_310 = arith.addi %mul3A_308, %add3A_309 : i32
        %mul3A_311 = arith.constant 4096 : i32
        %mul3A_312 = arith.muli %and3A_299, %mul3A_311 : i32
        %add3A_313 = arith.addi %add3A_310, %mul3A_312 : i32
        %mul3A_314 = arith.constant 524288 : i32
        %mul3A_315 = arith.muli %shift_right_arithmetic3A_297, %mul3A_314 : i32
        %add3A_316 = arith.constant 262144 : i32
        %add3A_317 = arith.addi %mul3A_315, %add3A_316 : i32
        %mul3A_318 = arith.constant 4096 : i32
        %mul3A_319 = arith.muli %and3A_299, %mul3A_318 : i32
        %add3A_320 = arith.addi %add3A_317, %mul3A_319 : i32
        %mul3A_321 = arith.constant 524288 : i32
        %mul3A_322 = arith.muli %shift_right_arithmetic3A_297, %mul3A_321 : i32
        %add3A_323 = arith.constant 393216 : i32
        %add3A_324 = arith.addi %mul3A_322, %add3A_323 : i32
        %mul3A_325 = arith.constant 4096 : i32
        %mul3A_326 = arith.muli %and3A_299, %mul3A_325 : i32
        %add3A_327 = arith.addi %add3A_324, %mul3A_326 : i32
        %dma_wait3A_328 = arith.constant 0 : i32
        %dma_wait3A_329 = tpu.memref_slice %arg8[%dma_wait3A_328] : memref<16384xf32, #tpu.memory_space<vmem>> -> memref<4096xf32, #tpu.memory_space<vmem>>
        %dma_wait3A_330 = tpu.memref_slice %arg4[%add3A_306] : memref<26214400xf32, #tpu.memory_space<hbm>> -> memref<4096xf32, #tpu.memory_space<hbm>>
        %dma_wait3A_331 = tpu.memref_slice %arg4[%add3A_306] : memref<26214400xf32, #tpu.memory_space<hbm>> -> memref<4096xf32, #tpu.memory_space<hbm>>
        %dma_wait3A_332 = arith.constant 0 : i32
        %dma_wait3A_333 = tpu.memref_slice %arg8[%dma_wait3A_332] : memref<16384xf32, #tpu.memory_space<vmem>> -> memref<4096xf32, #tpu.memory_space<vmem>>
        tpu.wait_dma2 semaphore(%arg12 : memref<!tpu.dma_semaphore, #tpu.memory_space<semaphore_mem>>) src(%dma_wait3A_333 : memref<4096xf32, #tpu.memory_space<vmem>>) dst(%dma_wait3A_331 : memref<4096xf32, #tpu.memory_space<hbm>>)
        %dma_wait3A_334 = arith.constant 4096 : i32
        %dma_wait3A_335 = tpu.memref_slice %arg8[%dma_wait3A_334] : memref<16384xf32, #tpu.memory_space<vmem>> -> memref<4096xf32, #tpu.memory_space<vmem>>
        %dma_wait3A_336 = tpu.memref_slice %arg4[%add3A_313] : memref<26214400xf32, #tpu.memory_space<hbm>> -> memref<4096xf32, #tpu.memory_space<hbm>>
        %dma_wait3A_337 = tpu.memref_slice %arg4[%add3A_313] : memref<26214400xf32, #tpu.memory_space<hbm>> -> memref<4096xf32, #tpu.memory_space<hbm>>
        %dma_wait3A_338 = arith.constant 4096 : i32
        %dma_wait3A_339 = tpu.memref_slice %arg8[%dma_wait3A_338] : memref<16384xf32, #tpu.memory_space<vmem>> -> memref<4096xf32, #tpu.memory_space<vmem>>
        tpu.wait_dma2 semaphore(%arg12 : memref<!tpu.dma_semaphore, #tpu.memory_space<semaphore_mem>>) src(%dma_wait3A_339 : memref<4096xf32, #tpu.memory_space<vmem>>) dst(%dma_wait3A_337 : memref<4096xf32, #tpu.memory_space<hbm>>)
        %dma_wait3A_340 = arith.constant 8192 : i32
        %dma_wait3A_341 = tpu.memref_slice %arg8[%dma_wait3A_340] : memref<16384xf32, #tpu.memory_space<vmem>> -> memref<4096xf32, #tpu.memory_space<vmem>>
        %dma_wait3A_342 = tpu.memref_slice %arg4[%add3A_320] : memref<26214400xf32, #tpu.memory_space<hbm>> -> memref<4096xf32, #tpu.memory_space<hbm>>
        %dma_wait3A_343 = tpu.memref_slice %arg4[%add3A_320] : memref<26214400xf32, #tpu.memory_space<hbm>> -> memref<4096xf32, #tpu.memory_space<hbm>>
        %dma_wait3A_344 = arith.constant 8192 : i32
        %dma_wait3A_345 = tpu.memref_slice %arg8[%dma_wait3A_344] : memref<16384xf32, #tpu.memory_space<vmem>> -> memref<4096xf32, #tpu.memory_space<vmem>>
        tpu.wait_dma2 semaphore(%arg12 : memref<!tpu.dma_semaphore, #tpu.memory_space<semaphore_mem>>) src(%dma_wait3A_345 : memref<4096xf32, #tpu.memory_space<vmem>>) dst(%dma_wait3A_343 : memref<4096xf32, #tpu.memory_space<hbm>>)
        %dma_wait3A_346 = arith.constant 12288 : i32
        %dma_wait3A_347 = tpu.memref_slice %arg8[%dma_wait3A_346] : memref<16384xf32, #tpu.memory_space<vmem>> -> memref<4096xf32, #tpu.memory_space<vmem>>
        %dma_wait3A_348 = tpu.memref_slice %arg4[%add3A_327] : memref<26214400xf32, #tpu.memory_space<hbm>> -> memref<4096xf32, #tpu.memory_space<hbm>>
        %dma_wait3A_349 = tpu.memref_slice %arg4[%add3A_327] : memref<26214400xf32, #tpu.memory_space<hbm>> -> memref<4096xf32, #tpu.memory_space<hbm>>
        %dma_wait3A_350 = arith.constant 12288 : i32
        %dma_wait3A_351 = tpu.memref_slice %arg8[%dma_wait3A_350] : memref<16384xf32, #tpu.memory_space<vmem>> -> memref<4096xf32, #tpu.memory_space<vmem>>
        tpu.wait_dma2 semaphore(%arg12 : memref<!tpu.dma_semaphore, #tpu.memory_space<semaphore_mem>>) src(%dma_wait3A_351 : memref<4096xf32, #tpu.memory_space<vmem>>) dst(%dma_wait3A_349 : memref<4096xf32, #tpu.memory_space<hbm>>)
      } else {
      }
      %scan3A_146 = arith.constant 0 : i32
      %scan3A_147 = arith.constant 0 : i32
      %scan3A_148 = arith.constant 32 : i32
      %scan3A_149 = arith.addi %scan3A_147, %scan3A_148 : i32
      %scan3A_150 = arith.constant 2 : i32
      scf.for %scan3A_294 = %scan3A_147 to %scan3A_149 step %scan3A_150  : i32 {
        %add3A_295 = vector.broadcast %scan3A_294 : i32 to vector<16xi32>
        %add3A_296 = arith.addi %iota3A, %add3A_295 : vector<16xi32>
        %and3A_297 = arith.constant 31 : i32
        %and3A_298 = vector.broadcast %and3A_297 : i32 to vector<16xi32>
        %and3A_299 = arith.andi %add3A_296, %and3A_298 : vector<16xi32>
        %shift_right_arithmetic3A_300 = arith.constant 3 : i32
        %shift_right_arithmetic3A_301 = vector.broadcast %shift_right_arithmetic3A_300 : i32 to vector<16xi32>
        %shift_right_arithmetic3A_302 = arith.shrsi %and3A_299, %shift_right_arithmetic3A_301 : vector<16xi32>
        %shift_left3A = arith.constant 12 : i32
        %shift_left3A_303 = vector.broadcast %shift_left3A : i32 to vector<16xi32>
        %shift_left3A_304 = arith.shli %shift_right_arithmetic3A_302, %shift_left3A_303 : vector<16xi32>
        %and3A_305 = arith.constant 7 : i32
        %and3A_306 = vector.broadcast %and3A_305 : i32 to vector<16xi32>
        %and3A_307 = arith.andi %and3A_299, %and3A_306 : vector<16xi32>
        %shift_left3A_308 = arith.constant 7 : i32
        %shift_left3A_309 = vector.broadcast %shift_left3A_308 : i32 to vector<16xi32>
        %shift_left3A_310 = arith.shli %and3A_307, %shift_left3A_309 : vector<16xi32>
        %add3A_311 = arith.addi %shift_left3A_304, %shift_left3A_310 : vector<16xi32>
        %add3A_312 = arith.addi %add3A_311, %iota3A : vector<16xi32>
        %scan3A_313 = arith.constant 0 : i32
        %scan3A_314 = arith.constant 0 : i32
        %scan3A_315 = arith.constant 32 : i32
        %scan3A_316 = arith.addi %scan3A_314, %scan3A_315 : i32
        %scan3A_317 = arith.constant 16 : i32
        scf.for %scan3A_346 = %scan3A_314 to %scan3A_316 step %scan3A_317  : i32 {
          %shift_left3A_347 = arith.constant 4 : i32
          %shift_left3A_348 = arith.shli %scan3A_346, %shift_left3A_347 : i32
          %add3A_349 = vector.broadcast %shift_left3A_348 : i32 to vector<16xi32>
          %add3A_350 = arith.addi %iota3A, %add3A_349 : vector<16xi32>
          %gather3A = tpu.vector_load_idx %arg6[%add3A_350, %and3A_299] : memref<512x32xf32, #tpu.memory_space<vmem>>[vector<16xi32>, vector<16xi32>], vector<16xf32>,
          %shift_right_arithmetic3A_351 = arith.constant 3 : i32
          %shift_right_arithmetic3A_352 = arith.shrsi %scan3A_346, %shift_right_arithmetic3A_351 : i32
          %shift_left3A_353 = arith.constant 10 : i32
          %shift_left3A_354 = arith.shli %shift_right_arithmetic3A_352, %shift_left3A_353 : i32
          %and3A_355 = arith.constant 7 : i32
          %and3A_356 = arith.andi %scan3A_346, %and3A_355 : i32
          %shift_left3A_357 = arith.constant 4 : i32
          %shift_left3A_358 = arith.shli %and3A_356, %shift_left3A_357 : i32
          %add3A_359 = arith.addi %shift_left3A_354, %shift_left3A_358 : i32
          %add3A_360 = vector.broadcast %add3A_359 : i32 to vector<16xi32>
          %add3A_361 = arith.addi %add3A_312, %add3A_360 : vector<16xi32>
          tpu.vector_store_idx %arg8[%add3A_361], %gather3A : memref<16384xf32, #tpu.memory_space<vmem>>[vector<16xi32>], vector<16xf32>,
          %scan3A_362 = arith.constant 1 : i32
          %scan3A_363 = arith.addi %scan3A_346, %scan3A_362 : i32
          %shift_left3A_364 = arith.constant 4 : i32
          %shift_left3A_365 = arith.shli %scan3A_363, %shift_left3A_364 : i32
          %add3A_366 = vector.broadcast %shift_left3A_365 : i32 to vector<16xi32>
          %add3A_367 = arith.addi %iota3A, %add3A_366 : vector<16xi32>
          %gather3A_368 = tpu.vector_load_idx %arg6[%add3A_367, %and3A_299] : memref<512x32xf32, #tpu.memory_space<vmem>>[vector<16xi32>, vector<16xi32>], vector<16xf32>,
          %shift_right_arithmetic3A_369 = arith.constant 3 : i32
          %shift_right_arithmetic3A_370 = arith.shrsi %scan3A_363, %shift_right_arithmetic3A_369 : i32
          %shift_left3A_371 = arith.constant 10 : i32
          %shift_left3A_372 = arith.shli %shift_right_arithmetic3A_370, %shift_left3A_371 : i32
          %and3A_373 = arith.constant 7 : i32
          %and3A_374 = arith.andi %scan3A_363, %and3A_373 : i32
          %shift_left3A_375 = arith.constant 4 : i32
          %shift_left3A_376 = arith.shli %and3A_374, %shift_left3A_375 : i32
          %add3A_377 = arith.addi %shift_left3A_372, %shift_left3A_376 : i32
          %add3A_378 = vector.broadcast %add3A_377 : i32 to vector<16xi32>
          %add3A_379 = arith.addi %add3A_312, %add3A_378 : vector<16xi32>
          tpu.vector_store_idx %arg8[%add3A_379], %gather3A_368 : memref<16384xf32, #tpu.memory_space<vmem>>[vector<16xi32>], vector<16xf32>,
          %scan3A_380 = arith.constant 2 : i32
          %scan3A_381 = arith.addi %scan3A_346, %scan3A_380 : i32
          %shift_left3A_382 = arith.constant 4 : i32
          %shift_left3A_383 = arith.shli %scan3A_381, %shift_left3A_382 : i32
          %add3A_384 = vector.broadcast %shift_left3A_383 : i32 to vector<16xi32>
          %add3A_385 = arith.addi %iota3A, %add3A_384 : vector<16xi32>
          %gather3A_386 = tpu.vector_load_idx %arg6[%add3A_385, %and3A_299] : memref<512x32xf32, #tpu.memory_space<vmem>>[vector<16xi32>, vector<16xi32>], vector<16xf32>,
          %shift_right_arithmetic3A_387 = arith.constant 3 : i32
          %shift_right_arithmetic3A_388 = arith.shrsi %scan3A_381, %shift_right_arithmetic3A_387 : i32
          %shift_left3A_389 = arith.constant 10 : i32
          %shift_left3A_390 = arith.shli %shift_right_arithmetic3A_388, %shift_left3A_389 : i32
          %and3A_391 = arith.constant 7 : i32
          %and3A_392 = arith.andi %scan3A_381, %and3A_391 : i32
          %shift_left3A_393 = arith.constant 4 : i32
          %shift_left3A_394 = arith.shli %and3A_392, %shift_left3A_393 : i32
          %add3A_395 = arith.addi %shift_left3A_390, %shift_left3A_394 : i32
          %add3A_396 = vector.broadcast %add3A_395 : i32 to vector<16xi32>
          %add3A_397 = arith.addi %add3A_312, %add3A_396 : vector<16xi32>
          tpu.vector_store_idx %arg8[%add3A_397], %gather3A_386 : memref<16384xf32, #tpu.memory_space<vmem>>[vector<16xi32>], vector<16xf32>,
          %scan3A_398 = arith.constant 3 : i32
          %scan3A_399 = arith.addi %scan3A_346, %scan3A_398 : i32
          %shift_left3A_400 = arith.constant 4 : i32
          %shift_left3A_401 = arith.shli %scan3A_399, %shift_left3A_400 : i32
          %add3A_402 = vector.broadcast %shift_left3A_401 : i32 to vector<16xi32>
          %add3A_403 = arith.addi %iota3A, %add3A_402 : vector<16xi32>
          %gather3A_404 = tpu.vector_load_idx %arg6[%add3A_403, %and3A_299] : memref<512x32xf32, #tpu.memory_space<vmem>>[vector<16xi32>, vector<16xi32>], vector<16xf32>,
          %shift_right_arithmetic3A_405 = arith.constant 3 : i32
          %shift_right_arithmetic3A_406 = arith.shrsi %scan3A_399, %shift_right_arithmetic3A_405 : i32
          %shift_left3A_407 = arith.constant 10 : i32
          %shift_left3A_408 = arith.shli %shift_right_arithmetic3A_406, %shift_left3A_407 : i32
          %and3A_409 = arith.constant 7 : i32
          %and3A_410 = arith.andi %scan3A_399, %and3A_409 : i32
          %shift_left3A_411 = arith.constant 4 : i32
          %shift_left3A_412 = arith.shli %and3A_410, %shift_left3A_411 : i32
          %add3A_413 = arith.addi %shift_left3A_408, %shift_left3A_412 : i32
          %add3A_414 = vector.broadcast %add3A_413 : i32 to vector<16xi32>
          %add3A_415 = arith.addi %add3A_312, %add3A_414 : vector<16xi32>
          tpu.vector_store_idx %arg8[%add3A_415], %gather3A_404 : memref<16384xf32, #tpu.memory_space<vmem>>[vector<16xi32>], vector<16xf32>,
          %scan3A_416 = arith.constant 4 : i32
          %scan3A_417 = arith.addi %scan3A_346, %scan3A_416 : i32
          %shift_left3A_418 = arith.constant 4 : i32
          %shift_left3A_419 = arith.shli %scan3A_417, %shift_left3A_418 : i32
          %add3A_420 = vector.broadcast %shift_left3A_419 : i32 to vector<16xi32>
          %add3A_421 = arith.addi %iota3A, %add3A_420 : vector<16xi32>
          %gather3A_422 = tpu.vector_load_idx %arg6[%add3A_421, %and3A_299] : memref<512x32xf32, #tpu.memory_space<vmem>>[vector<16xi32>, vector<16xi32>], vector<16xf32>,
          %shift_right_arithmetic3A_423 = arith.constant 3 : i32
          %shift_right_arithmetic3A_424 = arith.shrsi %scan3A_417, %shift_right_arithmetic3A_423 : i32
          %shift_left3A_425 = arith.constant 10 : i32
          %shift_left3A_426 = arith.shli %shift_right_arithmetic3A_424, %shift_left3A_425 : i32
          %and3A_427 = arith.constant 7 : i32
          %and3A_428 = arith.andi %scan3A_417, %and3A_427 : i32
          %shift_left3A_429 = arith.constant 4 : i32
          %shift_left3A_430 = arith.shli %and3A_428, %shift_left3A_429 : i32
          %add3A_431 = arith.addi %shift_left3A_426, %shift_left3A_430 : i32
          %add3A_432 = vector.broadcast %add3A_431 : i32 to vector<16xi32>
          %add3A_433 = arith.addi %add3A_312, %add3A_432 : vector<16xi32>
          tpu.vector_store_idx %arg8[%add3A_433], %gather3A_422 : memref<16384xf32, #tpu.memory_space<vmem>>[vector<16xi32>], vector<16xf32>,
          %scan3A_434 = arith.constant 5 : i32
          %scan3A_435 = arith.addi %scan3A_346, %scan3A_434 : i32
          %shift_left3A_436 = arith.constant 4 : i32
          %shift_left3A_437 = arith.shli %scan3A_435, %shift_left3A_436 : i32
          %add3A_438 = vector.broadcast %shift_left3A_437 : i32 to vector<16xi32>
          %add3A_439 = arith.addi %iota3A, %add3A_438 : vector<16xi32>
          %gather3A_440 = tpu.vector_load_idx %arg6[%add3A_439, %and3A_299] : memref<512x32xf32, #tpu.memory_space<vmem>>[vector<16xi32>, vector<16xi32>], vector<16xf32>,
          %shift_right_arithmetic3A_441 = arith.constant 3 : i32
          %shift_right_arithmetic3A_442 = arith.shrsi %scan3A_435, %shift_right_arithmetic3A_441 : i32
          %shift_left3A_443 = arith.constant 10 : i32
          %shift_left3A_444 = arith.shli %shift_right_arithmetic3A_442, %shift_left3A_443 : i32
          %and3A_445 = arith.constant 7 : i32
          %and3A_446 = arith.andi %scan3A_435, %and3A_445 : i32
          %shift_left3A_447 = arith.constant 4 : i32
          %shift_left3A_448 = arith.shli %and3A_446, %shift_left3A_447 : i32
          %add3A_449 = arith.addi %shift_left3A_444, %shift_left3A_448 : i32
          %add3A_450 = vector.broadcast %add3A_449 : i32 to vector<16xi32>
          %add3A_451 = arith.addi %add3A_312, %add3A_450 : vector<16xi32>
          tpu.vector_store_idx %arg8[%add3A_451], %gather3A_440 : memref<16384xf32, #tpu.memory_space<vmem>>[vector<16xi32>], vector<16xf32>,
          %scan3A_452 = arith.constant 6 : i32
          %scan3A_453 = arith.addi %scan3A_346, %scan3A_452 : i32
          %shift_left3A_454 = arith.constant 4 : i32
          %shift_left3A_455 = arith.shli %scan3A_453, %shift_left3A_454 : i32
          %add3A_456 = vector.broadcast %shift_left3A_455 : i32 to vector<16xi32>
          %add3A_457 = arith.addi %iota3A, %add3A_456 : vector<16xi32>
          %gather3A_458 = tpu.vector_load_idx %arg6[%add3A_457, %and3A_299] : memref<512x32xf32, #tpu.memory_space<vmem>>[vector<16xi32>, vector<16xi32>], vector<16xf32>,
          %shift_right_arithmetic3A_459 = arith.constant 3 : i32
          %shift_right_arithmetic3A_460 = arith.shrsi %scan3A_453, %shift_right_arithmetic3A_459 : i32
          %shift_left3A_461 = arith.constant 10 : i32
          %shift_left3A_462 = arith.shli %shift_right_arithmetic3A_460, %shift_left3A_461 : i32
          %and3A_463 = arith.constant 7 : i32
          %and3A_464 = arith.andi %scan3A_453, %and3A_463 : i32
          %shift_left3A_465 = arith.constant 4 : i32
          %shift_left3A_466 = arith.shli %and3A_464, %shift_left3A_465 : i32
          %add3A_467 = arith.addi %shift_left3A_462, %shift_left3A_466 : i32
          %add3A_468 = vector.broadcast %add3A_467 : i32 to vector<16xi32>
          %add3A_469 = arith.addi %add3A_312, %add3A_468 : vector<16xi32>
          tpu.vector_store_idx %arg8[%add3A_469], %gather3A_458 : memref<16384xf32, #tpu.memory_space<vmem>>[vector<16xi32>], vector<16xf32>,
          %scan3A_470 = arith.constant 7 : i32
          %scan3A_471 = arith.addi %scan3A_346, %scan3A_470 : i32
          %shift_left3A_472 = arith.constant 4 : i32
          %shift_left3A_473 = arith.shli %scan3A_471, %shift_left3A_472 : i32
          %add3A_474 = vector.broadcast %shift_left3A_473 : i32 to vector<16xi32>
          %add3A_475 = arith.addi %iota3A, %add3A_474 : vector<16xi32>
          %gather3A_476 = tpu.vector_load_idx %arg6[%add3A_475, %and3A_299] : memref<512x32xf32, #tpu.memory_space<vmem>>[vector<16xi32>, vector<16xi32>], vector<16xf32>,
          %shift_right_arithmetic3A_477 = arith.constant 3 : i32
          %shift_right_arithmetic3A_478 = arith.shrsi %scan3A_471, %shift_right_arithmetic3A_477 : i32
          %shift_left3A_479 = arith.constant 10 : i32
          %shift_left3A_480 = arith.shli %shift_right_arithmetic3A_478, %shift_left3A_479 : i32
          %and3A_481 = arith.constant 7 : i32
          %and3A_482 = arith.andi %scan3A_471, %and3A_481 : i32
          %shift_left3A_483 = arith.constant 4 : i32
          %shift_left3A_484 = arith.shli %and3A_482, %shift_left3A_483 : i32
          %add3A_485 = arith.addi %shift_left3A_480, %shift_left3A_484 : i32
          %add3A_486 = vector.broadcast %add3A_485 : i32 to vector<16xi32>
          %add3A_487 = arith.addi %add3A_312, %add3A_486 : vector<16xi32>
          tpu.vector_store_idx %arg8[%add3A_487], %gather3A_476 : memref<16384xf32, #tpu.memory_space<vmem>>[vector<16xi32>], vector<16xf32>,
          %scan3A_488 = arith.constant 8 : i32
          %scan3A_489 = arith.addi %scan3A_346, %scan3A_488 : i32
          %shift_left3A_490 = arith.constant 4 : i32
          %shift_left3A_491 = arith.shli %scan3A_489, %shift_left3A_490 : i32
          %add3A_492 = vector.broadcast %shift_left3A_491 : i32 to vector<16xi32>
          %add3A_493 = arith.addi %iota3A, %add3A_492 : vector<16xi32>
          %gather3A_494 = tpu.vector_load_idx %arg6[%add3A_493, %and3A_299] : memref<512x32xf32, #tpu.memory_space<vmem>>[vector<16xi32>, vector<16xi32>], vector<16xf32>,
          %shift_right_arithmetic3A_495 = arith.constant 3 : i32
          %shift_right_arithmetic3A_496 = arith.shrsi %scan3A_489, %shift_right_arithmetic3A_495 : i32
          %shift_left3A_497 = arith.constant 10 : i32
          %shift_left3A_498 = arith.shli %shift_right_arithmetic3A_496, %shift_left3A_497 : i32
          %and3A_499 = arith.constant 7 : i32
          %and3A_500 = arith.andi %scan3A_489, %and3A_499 : i32
          %shift_left3A_501 = arith.constant 4 : i32
          %shift_left3A_502 = arith.shli %and3A_500, %shift_left3A_501 : i32
          %add3A_503 = arith.addi %shift_left3A_498, %shift_left3A_502 : i32
          %add3A_504 = vector.broadcast %add3A_503 : i32 to vector<16xi32>
          %add3A_505 = arith.addi %add3A_312, %add3A_504 : vector<16xi32>
          tpu.vector_store_idx %arg8[%add3A_505], %gather3A_494 : memref<16384xf32, #tpu.memory_space<vmem>>[vector<16xi32>], vector<16xf32>,
          %scan3A_506 = arith.constant 9 : i32
          %scan3A_507 = arith.addi %scan3A_346, %scan3A_506 : i32
          %shift_left3A_508 = arith.constant 4 : i32
          %shift_left3A_509 = arith.shli %scan3A_507, %shift_left3A_508 : i32
          %add3A_510 = vector.broadcast %shift_left3A_509 : i32 to vector<16xi32>
          %add3A_511 = arith.addi %iota3A, %add3A_510 : vector<16xi32>
          %gather3A_512 = tpu.vector_load_idx %arg6[%add3A_511, %and3A_299] : memref<512x32xf32, #tpu.memory_space<vmem>>[vector<16xi32>, vector<16xi32>], vector<16xf32>,
          %shift_right_arithmetic3A_513 = arith.constant 3 : i32
          %shift_right_arithmetic3A_514 = arith.shrsi %scan3A_507, %shift_right_arithmetic3A_513 : i32
          %shift_left3A_515 = arith.constant 10 : i32
          %shift_left3A_516 = arith.shli %shift_right_arithmetic3A_514, %shift_left3A_515 : i32
          %and3A_517 = arith.constant 7 : i32
          %and3A_518 = arith.andi %scan3A_507, %and3A_517 : i32
          %shift_left3A_519 = arith.constant 4 : i32
          %shift_left3A_520 = arith.shli %and3A_518, %shift_left3A_519 : i32
          %add3A_521 = arith.addi %shift_left3A_516, %shift_left3A_520 : i32
          %add3A_522 = vector.broadcast %add3A_521 : i32 to vector<16xi32>
          %add3A_523 = arith.addi %add3A_312, %add3A_522 : vector<16xi32>
          tpu.vector_store_idx %arg8[%add3A_523], %gather3A_512 : memref<16384xf32, #tpu.memory_space<vmem>>[vector<16xi32>], vector<16xf32>,
          %scan3A_524 = arith.constant 10 : i32
          %scan3A_525 = arith.addi %scan3A_346, %scan3A_524 : i32
          %shift_left3A_526 = arith.constant 4 : i32
          %shift_left3A_527 = arith.shli %scan3A_525, %shift_left3A_526 : i32
          %add3A_528 = vector.broadcast %shift_left3A_527 : i32 to vector<16xi32>
          %add3A_529 = arith.addi %iota3A, %add3A_528 : vector<16xi32>
          %gather3A_530 = tpu.vector_load_idx %arg6[%add3A_529, %and3A_299] : memref<512x32xf32, #tpu.memory_space<vmem>>[vector<16xi32>, vector<16xi32>], vector<16xf32>,
          %shift_right_arithmetic3A_531 = arith.constant 3 : i32
          %shift_right_arithmetic3A_532 = arith.shrsi %scan3A_525, %shift_right_arithmetic3A_531 : i32
          %shift_left3A_533 = arith.constant 10 : i32
          %shift_left3A_534 = arith.shli %shift_right_arithmetic3A_532, %shift_left3A_533 : i32
          %and3A_535 = arith.constant 7 : i32
          %and3A_536 = arith.andi %scan3A_525, %and3A_535 : i32
          %shift_left3A_537 = arith.constant 4 : i32
          %shift_left3A_538 = arith.shli %and3A_536, %shift_left3A_537 : i32
          %add3A_539 = arith.addi %shift_left3A_534, %shift_left3A_538 : i32
          %add3A_540 = vector.broadcast %add3A_539 : i32 to vector<16xi32>
          %add3A_541 = arith.addi %add3A_312, %add3A_540 : vector<16xi32>
          tpu.vector_store_idx %arg8[%add3A_541], %gather3A_530 : memref<16384xf32, #tpu.memory_space<vmem>>[vector<16xi32>], vector<16xf32>,
          %scan3A_542 = arith.constant 11 : i32
          %scan3A_543 = arith.addi %scan3A_346, %scan3A_542 : i32
          %shift_left3A_544 = arith.constant 4 : i32
          %shift_left3A_545 = arith.shli %scan3A_543, %shift_left3A_544 : i32
          %add3A_546 = vector.broadcast %shift_left3A_545 : i32 to vector<16xi32>
          %add3A_547 = arith.addi %iota3A, %add3A_546 : vector<16xi32>
          %gather3A_548 = tpu.vector_load_idx %arg6[%add3A_547, %and3A_299] : memref<512x32xf32, #tpu.memory_space<vmem>>[vector<16xi32>, vector<16xi32>], vector<16xf32>,
          %shift_right_arithmetic3A_549 = arith.constant 3 : i32
          %shift_right_arithmetic3A_550 = arith.shrsi %scan3A_543, %shift_right_arithmetic3A_549 : i32
          %shift_left3A_551 = arith.constant 10 : i32
          %shift_left3A_552 = arith.shli %shift_right_arithmetic3A_550, %shift_left3A_551 : i32
          %and3A_553 = arith.constant 7 : i32
          %and3A_554 = arith.andi %scan3A_543, %and3A_553 : i32
          %shift_left3A_555 = arith.constant 4 : i32
          %shift_left3A_556 = arith.shli %and3A_554, %shift_left3A_555 : i32
          %add3A_557 = arith.addi %shift_left3A_552, %shift_left3A_556 : i32
          %add3A_558 = vector.broadcast %add3A_557 : i32 to vector<16xi32>
          %add3A_559 = arith.addi %add3A_312, %add3A_558 : vector<16xi32>
          tpu.vector_store_idx %arg8[%add3A_559], %gather3A_548 : memref<16384xf32, #tpu.memory_space<vmem>>[vector<16xi32>], vector<16xf32>,
          %scan3A_560 = arith.constant 12 : i32
          %scan3A_561 = arith.addi %scan3A_346, %scan3A_560 : i32
          %shift_left3A_562 = arith.constant 4 : i32
          %shift_left3A_563 = arith.shli %scan3A_561, %shift_left3A_562 : i32
          %add3A_564 = vector.broadcast %shift_left3A_563 : i32 to vector<16xi32>
          %add3A_565 = arith.addi %iota3A, %add3A_564 : vector<16xi32>
          %gather3A_566 = tpu.vector_load_idx %arg6[%add3A_565, %and3A_299] : memref<512x32xf32, #tpu.memory_space<vmem>>[vector<16xi32>, vector<16xi32>], vector<16xf32>,
          %shift_right_arithmetic3A_567 = arith.constant 3 : i32
          %shift_right_arithmetic3A_568 = arith.shrsi %scan3A_561, %shift_right_arithmetic3A_567 : i32
          %shift_left3A_569 = arith.constant 10 : i32
          %shift_left3A_570 = arith.shli %shift_right_arithmetic3A_568, %shift_left3A_569 : i32
          %and3A_571 = arith.constant 7 : i32
          %and3A_572 = arith.andi %scan3A_561, %and3A_571 : i32
          %shift_left3A_573 = arith.constant 4 : i32
          %shift_left3A_574 = arith.shli %and3A_572, %shift_left3A_573 : i32
          %add3A_575 = arith.addi %shift_left3A_570, %shift_left3A_574 : i32
          %add3A_576 = vector.broadcast %add3A_575 : i32 to vector<16xi32>
          %add3A_577 = arith.addi %add3A_312, %add3A_576 : vector<16xi32>
          tpu.vector_store_idx %arg8[%add3A_577], %gather3A_566 : memref<16384xf32, #tpu.memory_space<vmem>>[vector<16xi32>], vector<16xf32>,
          %scan3A_578 = arith.constant 13 : i32
          %scan3A_579 = arith.addi %scan3A_346, %scan3A_578 : i32
          %shift_left3A_580 = arith.constant 4 : i32
          %shift_left3A_581 = arith.shli %scan3A_579, %shift_left3A_580 : i32
          %add3A_582 = vector.broadcast %shift_left3A_581 : i32 to vector<16xi32>
          %add3A_583 = arith.addi %iota3A, %add3A_582 : vector<16xi32>
          %gather3A_584 = tpu.vector_load_idx %arg6[%add3A_583, %and3A_299] : memref<512x32xf32, #tpu.memory_space<vmem>>[vector<16xi32>, vector<16xi32>], vector<16xf32>,
          %shift_right_arithmetic3A_585 = arith.constant 3 : i32
          %shift_right_arithmetic3A_586 = arith.shrsi %scan3A_579, %shift_right_arithmetic3A_585 : i32
          %shift_left3A_587 = arith.constant 10 : i32
          %shift_left3A_588 = arith.shli %shift_right_arithmetic3A_586, %shift_left3A_587 : i32
          %and3A_589 = arith.constant 7 : i32
          %and3A_590 = arith.andi %scan3A_579, %and3A_589 : i32
          %shift_left3A_591 = arith.constant 4 : i32
          %shift_left3A_592 = arith.shli %and3A_590, %shift_left3A_591 : i32
          %add3A_593 = arith.addi %shift_left3A_588, %shift_left3A_592 : i32
          %add3A_594 = vector.broadcast %add3A_593 : i32 to vector<16xi32>
          %add3A_595 = arith.addi %add3A_312, %add3A_594 : vector<16xi32>
          tpu.vector_store_idx %arg8[%add3A_595], %gather3A_584 : memref<16384xf32, #tpu.memory_space<vmem>>[vector<16xi32>], vector<16xf32>,
          %scan3A_596 = arith.constant 14 : i32
          %scan3A_597 = arith.addi %scan3A_346, %scan3A_596 : i32
          %shift_left3A_598 = arith.constant 4 : i32
          %shift_left3A_599 = arith.shli %scan3A_597, %shift_left3A_598 : i32
          %add3A_600 = vector.broadcast %shift_left3A_599 : i32 to vector<16xi32>
          %add3A_601 = arith.addi %iota3A, %add3A_600 : vector<16xi32>
          %gather3A_602 = tpu.vector_load_idx %arg6[%add3A_601, %and3A_299] : memref<512x32xf32, #tpu.memory_space<vmem>>[vector<16xi32>, vector<16xi32>], vector<16xf32>,
          %shift_right_arithmetic3A_603 = arith.constant 3 : i32
          %shift_right_arithmetic3A_604 = arith.shrsi %scan3A_597, %shift_right_arithmetic3A_603 : i32
          %shift_left3A_605 = arith.constant 10 : i32
          %shift_left3A_606 = arith.shli %shift_right_arithmetic3A_604, %shift_left3A_605 : i32
          %and3A_607 = arith.constant 7 : i32
          %and3A_608 = arith.andi %scan3A_597, %and3A_607 : i32
          %shift_left3A_609 = arith.constant 4 : i32
          %shift_left3A_610 = arith.shli %and3A_608, %shift_left3A_609 : i32
          %add3A_611 = arith.addi %shift_left3A_606, %shift_left3A_610 : i32
          %add3A_612 = vector.broadcast %add3A_611 : i32 to vector<16xi32>
          %add3A_613 = arith.addi %add3A_312, %add3A_612 : vector<16xi32>
          tpu.vector_store_idx %arg8[%add3A_613], %gather3A_602 : memref<16384xf32, #tpu.memory_space<vmem>>[vector<16xi32>], vector<16xf32>,
          %scan3A_614 = arith.constant 15 : i32
          %scan3A_615 = arith.addi %scan3A_346, %scan3A_614 : i32
          %shift_left3A_616 = arith.constant 4 : i32
          %shift_left3A_617 = arith.shli %scan3A_615, %shift_left3A_616 : i32
          %add3A_618 = vector.broadcast %shift_left3A_617 : i32 to vector<16xi32>
          %add3A_619 = arith.addi %iota3A, %add3A_618 : vector<16xi32>
          %gather3A_620 = tpu.vector_load_idx %arg6[%add3A_619, %and3A_299] : memref<512x32xf32, #tpu.memory_space<vmem>>[vector<16xi32>, vector<16xi32>], vector<16xf32>,
          %shift_right_arithmetic3A_621 = arith.constant 3 : i32
          %shift_right_arithmetic3A_622 = arith.shrsi %scan3A_615, %shift_right_arithmetic3A_621 : i32
          %shift_left3A_623 = arith.constant 10 : i32
          %shift_left3A_624 = arith.shli %shift_right_arithmetic3A_622, %shift_left3A_623 : i32
          %and3A_625 = arith.constant 7 : i32
          %and3A_626 = arith.andi %scan3A_615, %and3A_625 : i32
          %shift_left3A_627 = arith.constant 4 : i32
          %shift_left3A_628 = arith.shli %and3A_626, %shift_left3A_627 : i32
          %add3A_629 = arith.addi %shift_left3A_624, %shift_left3A_628 : i32
          %add3A_630 = vector.broadcast %add3A_629 : i32 to vector<16xi32>
          %add3A_631 = arith.addi %add3A_312, %add3A_630 : vector<16xi32>
          tpu.vector_store_idx %arg8[%add3A_631], %gather3A_620 : memref<16384xf32, #tpu.memory_space<vmem>>[vector<16xi32>], vector<16xf32>,
        }
        %scan3A_318 = arith.constant 32 : i32
        %scan3A_319 = arith.constant 1 : i32
        %scan3A_320 = arith.addi %scan3A_294, %scan3A_319 : i32
        %add3A_321 = vector.broadcast %scan3A_320 : i32 to vector<16xi32>
        %add3A_322 = arith.addi %iota3A, %add3A_321 : vector<16xi32>
        %and3A_323 = arith.constant 31 : i32
        %and3A_324 = vector.broadcast %and3A_323 : i32 to vector<16xi32>
        %and3A_325 = arith.andi %add3A_322, %and3A_324 : vector<16xi32>
        %shift_right_arithmetic3A_326 = arith.constant 3 : i32
        %shift_right_arithmetic3A_327 = vector.broadcast %shift_right_arithmetic3A_326 : i32 to vector<16xi32>
        %shift_right_arithmetic3A_328 = arith.shrsi %and3A_325, %shift_right_arithmetic3A_327 : vector<16xi32>
        %shift_left3A_329 = arith.constant 12 : i32
        %shift_left3A_330 = vector.broadcast %shift_left3A_329 : i32 to vector<16xi32>
        %shift_left3A_331 = arith.shli %shift_right_arithmetic3A_328, %shift_left3A_330 : vector<16xi32>
        %and3A_332 = arith.constant 7 : i32
        %and3A_333 = vector.broadcast %and3A_332 : i32 to vector<16xi32>
        %and3A_334 = arith.andi %and3A_325, %and3A_333 : vector<16xi32>
        %shift_left3A_335 = arith.constant 7 : i32
        %shift_left3A_336 = vector.broadcast %shift_left3A_335 : i32 to vector<16xi32>
        %shift_left3A_337 = arith.shli %and3A_334, %shift_left3A_336 : vector<16xi32>
        %add3A_338 = arith.addi %shift_left3A_331, %shift_left3A_337 : vector<16xi32>
        %add3A_339 = arith.addi %add3A_338, %iota3A : vector<16xi32>
        %scan3A_340 = arith.constant 0 : i32
        %scan3A_341 = arith.constant 0 : i32
        %scan3A_342 = arith.constant 32 : i32
        %scan3A_343 = arith.addi %scan3A_341, %scan3A_342 : i32
        %scan3A_344 = arith.constant 16 : i32
        scf.for %scan3A_346 = %scan3A_341 to %scan3A_343 step %scan3A_344  : i32 {
          %shift_left3A_347 = arith.constant 4 : i32
          %shift_left3A_348 = arith.shli %scan3A_346, %shift_left3A_347 : i32
          %add3A_349 = vector.broadcast %shift_left3A_348 : i32 to vector<16xi32>
          %add3A_350 = arith.addi %iota3A, %add3A_349 : vector<16xi32>
          %gather3A = tpu.vector_load_idx %arg6[%add3A_350, %and3A_325] : memref<512x32xf32, #tpu.memory_space<vmem>>[vector<16xi32>, vector<16xi32>], vector<16xf32>,
          %shift_right_arithmetic3A_351 = arith.constant 3 : i32
          %shift_right_arithmetic3A_352 = arith.shrsi %scan3A_346, %shift_right_arithmetic3A_351 : i32
          %shift_left3A_353 = arith.constant 10 : i32
          %shift_left3A_354 = arith.shli %shift_right_arithmetic3A_352, %shift_left3A_353 : i32
          %and3A_355 = arith.constant 7 : i32
          %and3A_356 = arith.andi %scan3A_346, %and3A_355 : i32
          %shift_left3A_357 = arith.constant 4 : i32
          %shift_left3A_358 = arith.shli %and3A_356, %shift_left3A_357 : i32
          %add3A_359 = arith.addi %shift_left3A_354, %shift_left3A_358 : i32
          %add3A_360 = vector.broadcast %add3A_359 : i32 to vector<16xi32>
          %add3A_361 = arith.addi %add3A_339, %add3A_360 : vector<16xi32>
          tpu.vector_store_idx %arg8[%add3A_361], %gather3A : memref<16384xf32, #tpu.memory_space<vmem>>[vector<16xi32>], vector<16xf32>,
          %scan3A_362 = arith.constant 1 : i32
          %scan3A_363 = arith.addi %scan3A_346, %scan3A_362 : i32
          %shift_left3A_364 = arith.constant 4 : i32
          %shift_left3A_365 = arith.shli %scan3A_363, %shift_left3A_364 : i32
          %add3A_366 = vector.broadcast %shift_left3A_365 : i32 to vector<16xi32>
          %add3A_367 = arith.addi %iota3A, %add3A_366 : vector<16xi32>
          %gather3A_368 = tpu.vector_load_idx %arg6[%add3A_367, %and3A_325] : memref<512x32xf32, #tpu.memory_space<vmem>>[vector<16xi32>, vector<16xi32>], vector<16xf32>,
          %shift_right_arithmetic3A_369 = arith.constant 3 : i32
          %shift_right_arithmetic3A_370 = arith.shrsi %scan3A_363, %shift_right_arithmetic3A_369 : i32
          %shift_left3A_371 = arith.constant 10 : i32
          %shift_left3A_372 = arith.shli %shift_right_arithmetic3A_370, %shift_left3A_371 : i32
          %and3A_373 = arith.constant 7 : i32
          %and3A_374 = arith.andi %scan3A_363, %and3A_373 : i32
          %shift_left3A_375 = arith.constant 4 : i32
          %shift_left3A_376 = arith.shli %and3A_374, %shift_left3A_375 : i32
          %add3A_377 = arith.addi %shift_left3A_372, %shift_left3A_376 : i32
          %add3A_378 = vector.broadcast %add3A_377 : i32 to vector<16xi32>
          %add3A_379 = arith.addi %add3A_339, %add3A_378 : vector<16xi32>
          tpu.vector_store_idx %arg8[%add3A_379], %gather3A_368 : memref<16384xf32, #tpu.memory_space<vmem>>[vector<16xi32>], vector<16xf32>,
          %scan3A_380 = arith.constant 2 : i32
          %scan3A_381 = arith.addi %scan3A_346, %scan3A_380 : i32
          %shift_left3A_382 = arith.constant 4 : i32
          %shift_left3A_383 = arith.shli %scan3A_381, %shift_left3A_382 : i32
          %add3A_384 = vector.broadcast %shift_left3A_383 : i32 to vector<16xi32>
          %add3A_385 = arith.addi %iota3A, %add3A_384 : vector<16xi32>
          %gather3A_386 = tpu.vector_load_idx %arg6[%add3A_385, %and3A_325] : memref<512x32xf32, #tpu.memory_space<vmem>>[vector<16xi32>, vector<16xi32>], vector<16xf32>,
          %shift_right_arithmetic3A_387 = arith.constant 3 : i32
          %shift_right_arithmetic3A_388 = arith.shrsi %scan3A_381, %shift_right_arithmetic3A_387 : i32
          %shift_left3A_389 = arith.constant 10 : i32
          %shift_left3A_390 = arith.shli %shift_right_arithmetic3A_388, %shift_left3A_389 : i32
          %and3A_391 = arith.constant 7 : i32
          %and3A_392 = arith.andi %scan3A_381, %and3A_391 : i32
          %shift_left3A_393 = arith.constant 4 : i32
          %shift_left3A_394 = arith.shli %and3A_392, %shift_left3A_393 : i32
          %add3A_395 = arith.addi %shift_left3A_390, %shift_left3A_394 : i32
          %add3A_396 = vector.broadcast %add3A_395 : i32 to vector<16xi32>
          %add3A_397 = arith.addi %add3A_339, %add3A_396 : vector<16xi32>
          tpu.vector_store_idx %arg8[%add3A_397], %gather3A_386 : memref<16384xf32, #tpu.memory_space<vmem>>[vector<16xi32>], vector<16xf32>,
          %scan3A_398 = arith.constant 3 : i32
          %scan3A_399 = arith.addi %scan3A_346, %scan3A_398 : i32
          %shift_left3A_400 = arith.constant 4 : i32
          %shift_left3A_401 = arith.shli %scan3A_399, %shift_left3A_400 : i32
          %add3A_402 = vector.broadcast %shift_left3A_401 : i32 to vector<16xi32>
          %add3A_403 = arith.addi %iota3A, %add3A_402 : vector<16xi32>
          %gather3A_404 = tpu.vector_load_idx %arg6[%add3A_403, %and3A_325] : memref<512x32xf32, #tpu.memory_space<vmem>>[vector<16xi32>, vector<16xi32>], vector<16xf32>,
          %shift_right_arithmetic3A_405 = arith.constant 3 : i32
          %shift_right_arithmetic3A_406 = arith.shrsi %scan3A_399, %shift_right_arithmetic3A_405 : i32
          %shift_left3A_407 = arith.constant 10 : i32
          %shift_left3A_408 = arith.shli %shift_right_arithmetic3A_406, %shift_left3A_407 : i32
          %and3A_409 = arith.constant 7 : i32
          %and3A_410 = arith.andi %scan3A_399, %and3A_409 : i32
          %shift_left3A_411 = arith.constant 4 : i32
          %shift_left3A_412 = arith.shli %and3A_410, %shift_left3A_411 : i32
          %add3A_413 = arith.addi %shift_left3A_408, %shift_left3A_412 : i32
          %add3A_414 = vector.broadcast %add3A_413 : i32 to vector<16xi32>
          %add3A_415 = arith.addi %add3A_339, %add3A_414 : vector<16xi32>
          tpu.vector_store_idx %arg8[%add3A_415], %gather3A_404 : memref<16384xf32, #tpu.memory_space<vmem>>[vector<16xi32>], vector<16xf32>,
          %scan3A_416 = arith.constant 4 : i32
          %scan3A_417 = arith.addi %scan3A_346, %scan3A_416 : i32
          %shift_left3A_418 = arith.constant 4 : i32
          %shift_left3A_419 = arith.shli %scan3A_417, %shift_left3A_418 : i32
          %add3A_420 = vector.broadcast %shift_left3A_419 : i32 to vector<16xi32>
          %add3A_421 = arith.addi %iota3A, %add3A_420 : vector<16xi32>
          %gather3A_422 = tpu.vector_load_idx %arg6[%add3A_421, %and3A_325] : memref<512x32xf32, #tpu.memory_space<vmem>>[vector<16xi32>, vector<16xi32>], vector<16xf32>,
          %shift_right_arithmetic3A_423 = arith.constant 3 : i32
          %shift_right_arithmetic3A_424 = arith.shrsi %scan3A_417, %shift_right_arithmetic3A_423 : i32
          %shift_left3A_425 = arith.constant 10 : i32
          %shift_left3A_426 = arith.shli %shift_right_arithmetic3A_424, %shift_left3A_425 : i32
          %and3A_427 = arith.constant 7 : i32
          %and3A_428 = arith.andi %scan3A_417, %and3A_427 : i32
          %shift_left3A_429 = arith.constant 4 : i32
          %shift_left3A_430 = arith.shli %and3A_428, %shift_left3A_429 : i32
          %add3A_431 = arith.addi %shift_left3A_426, %shift_left3A_430 : i32
          %add3A_432 = vector.broadcast %add3A_431 : i32 to vector<16xi32>
          %add3A_433 = arith.addi %add3A_339, %add3A_432 : vector<16xi32>
          tpu.vector_store_idx %arg8[%add3A_433], %gather3A_422 : memref<16384xf32, #tpu.memory_space<vmem>>[vector<16xi32>], vector<16xf32>,
          %scan3A_434 = arith.constant 5 : i32
          %scan3A_435 = arith.addi %scan3A_346, %scan3A_434 : i32
          %shift_left3A_436 = arith.constant 4 : i32
          %shift_left3A_437 = arith.shli %scan3A_435, %shift_left3A_436 : i32
          %add3A_438 = vector.broadcast %shift_left3A_437 : i32 to vector<16xi32>
          %add3A_439 = arith.addi %iota3A, %add3A_438 : vector<16xi32>
          %gather3A_440 = tpu.vector_load_idx %arg6[%add3A_439, %and3A_325] : memref<512x32xf32, #tpu.memory_space<vmem>>[vector<16xi32>, vector<16xi32>], vector<16xf32>,
          %shift_right_arithmetic3A_441 = arith.constant 3 : i32
          %shift_right_arithmetic3A_442 = arith.shrsi %scan3A_435, %shift_right_arithmetic3A_441 : i32
          %shift_left3A_443 = arith.constant 10 : i32
          %shift_left3A_444 = arith.shli %shift_right_arithmetic3A_442, %shift_left3A_443 : i32
          %and3A_445 = arith.constant 7 : i32
          %and3A_446 = arith.andi %scan3A_435, %and3A_445 : i32
          %shift_left3A_447 = arith.constant 4 : i32
          %shift_left3A_448 = arith.shli %and3A_446, %shift_left3A_447 : i32
          %add3A_449 = arith.addi %shift_left3A_444, %shift_left3A_448 : i32
          %add3A_450 = vector.broadcast %add3A_449 : i32 to vector<16xi32>
          %add3A_451 = arith.addi %add3A_339, %add3A_450 : vector<16xi32>
          tpu.vector_store_idx %arg8[%add3A_451], %gather3A_440 : memref<16384xf32, #tpu.memory_space<vmem>>[vector<16xi32>], vector<16xf32>,
          %scan3A_452 = arith.constant 6 : i32
          %scan3A_453 = arith.addi %scan3A_346, %scan3A_452 : i32
          %shift_left3A_454 = arith.constant 4 : i32
          %shift_left3A_455 = arith.shli %scan3A_453, %shift_left3A_454 : i32
          %add3A_456 = vector.broadcast %shift_left3A_455 : i32 to vector<16xi32>
          %add3A_457 = arith.addi %iota3A, %add3A_456 : vector<16xi32>
          %gather3A_458 = tpu.vector_load_idx %arg6[%add3A_457, %and3A_325] : memref<512x32xf32, #tpu.memory_space<vmem>>[vector<16xi32>, vector<16xi32>], vector<16xf32>,
          %shift_right_arithmetic3A_459 = arith.constant 3 : i32
          %shift_right_arithmetic3A_460 = arith.shrsi %scan3A_453, %shift_right_arithmetic3A_459 : i32
          %shift_left3A_461 = arith.constant 10 : i32
          %shift_left3A_462 = arith.shli %shift_right_arithmetic3A_460, %shift_left3A_461 : i32
          %and3A_463 = arith.constant 7 : i32
          %and3A_464 = arith.andi %scan3A_453, %and3A_463 : i32
          %shift_left3A_465 = arith.constant 4 : i32
          %shift_left3A_466 = arith.shli %and3A_464, %shift_left3A_465 : i32
          %add3A_467 = arith.addi %shift_left3A_462, %shift_left3A_466 : i32
          %add3A_468 = vector.broadcast %add3A_467 : i32 to vector<16xi32>
          %add3A_469 = arith.addi %add3A_339, %add3A_468 : vector<16xi32>
          tpu.vector_store_idx %arg8[%add3A_469], %gather3A_458 : memref<16384xf32, #tpu.memory_space<vmem>>[vector<16xi32>], vector<16xf32>,
          %scan3A_470 = arith.constant 7 : i32
          %scan3A_471 = arith.addi %scan3A_346, %scan3A_470 : i32
          %shift_left3A_472 = arith.constant 4 : i32
          %shift_left3A_473 = arith.shli %scan3A_471, %shift_left3A_472 : i32
          %add3A_474 = vector.broadcast %shift_left3A_473 : i32 to vector<16xi32>
          %add3A_475 = arith.addi %iota3A, %add3A_474 : vector<16xi32>
          %gather3A_476 = tpu.vector_load_idx %arg6[%add3A_475, %and3A_325] : memref<512x32xf32, #tpu.memory_space<vmem>>[vector<16xi32>, vector<16xi32>], vector<16xf32>,
          %shift_right_arithmetic3A_477 = arith.constant 3 : i32
          %shift_right_arithmetic3A_478 = arith.shrsi %scan3A_471, %shift_right_arithmetic3A_477 : i32
          %shift_left3A_479 = arith.constant 10 : i32
          %shift_left3A_480 = arith.shli %shift_right_arithmetic3A_478, %shift_left3A_479 : i32
          %and3A_481 = arith.constant 7 : i32
          %and3A_482 = arith.andi %scan3A_471, %and3A_481 : i32
          %shift_left3A_483 = arith.constant 4 : i32
          %shift_left3A_484 = arith.shli %and3A_482, %shift_left3A_483 : i32
          %add3A_485 = arith.addi %shift_left3A_480, %shift_left3A_484 : i32
          %add3A_486 = vector.broadcast %add3A_485 : i32 to vector<16xi32>
          %add3A_487 = arith.addi %add3A_339, %add3A_486 : vector<16xi32>
          tpu.vector_store_idx %arg8[%add3A_487], %gather3A_476 : memref<16384xf32, #tpu.memory_space<vmem>>[vector<16xi32>], vector<16xf32>,
          %scan3A_488 = arith.constant 8 : i32
          %scan3A_489 = arith.addi %scan3A_346, %scan3A_488 : i32
          %shift_left3A_490 = arith.constant 4 : i32
          %shift_left3A_491 = arith.shli %scan3A_489, %shift_left3A_490 : i32
          %add3A_492 = vector.broadcast %shift_left3A_491 : i32 to vector<16xi32>
          %add3A_493 = arith.addi %iota3A, %add3A_492 : vector<16xi32>
          %gather3A_494 = tpu.vector_load_idx %arg6[%add3A_493, %and3A_325] : memref<512x32xf32, #tpu.memory_space<vmem>>[vector<16xi32>, vector<16xi32>], vector<16xf32>,
          %shift_right_arithmetic3A_495 = arith.constant 3 : i32
          %shift_right_arithmetic3A_496 = arith.shrsi %scan3A_489, %shift_right_arithmetic3A_495 : i32
          %shift_left3A_497 = arith.constant 10 : i32
          %shift_left3A_498 = arith.shli %shift_right_arithmetic3A_496, %shift_left3A_497 : i32
          %and3A_499 = arith.constant 7 : i32
          %and3A_500 = arith.andi %scan3A_489, %and3A_499 : i32
          %shift_left3A_501 = arith.constant 4 : i32
          %shift_left3A_502 = arith.shli %and3A_500, %shift_left3A_501 : i32
          %add3A_503 = arith.addi %shift_left3A_498, %shift_left3A_502 : i32
          %add3A_504 = vector.broadcast %add3A_503 : i32 to vector<16xi32>
          %add3A_505 = arith.addi %add3A_339, %add3A_504 : vector<16xi32>
          tpu.vector_store_idx %arg8[%add3A_505], %gather3A_494 : memref<16384xf32, #tpu.memory_space<vmem>>[vector<16xi32>], vector<16xf32>,
          %scan3A_506 = arith.constant 9 : i32
          %scan3A_507 = arith.addi %scan3A_346, %scan3A_506 : i32
          %shift_left3A_508 = arith.constant 4 : i32
          %shift_left3A_509 = arith.shli %scan3A_507, %shift_left3A_508 : i32
          %add3A_510 = vector.broadcast %shift_left3A_509 : i32 to vector<16xi32>
          %add3A_511 = arith.addi %iota3A, %add3A_510 : vector<16xi32>
          %gather3A_512 = tpu.vector_load_idx %arg6[%add3A_511, %and3A_325] : memref<512x32xf32, #tpu.memory_space<vmem>>[vector<16xi32>, vector<16xi32>], vector<16xf32>,
          %shift_right_arithmetic3A_513 = arith.constant 3 : i32
          %shift_right_arithmetic3A_514 = arith.shrsi %scan3A_507, %shift_right_arithmetic3A_513 : i32
          %shift_left3A_515 = arith.constant 10 : i32
          %shift_left3A_516 = arith.shli %shift_right_arithmetic3A_514, %shift_left3A_515 : i32
          %and3A_517 = arith.constant 7 : i32
          %and3A_518 = arith.andi %scan3A_507, %and3A_517 : i32
          %shift_left3A_519 = arith.constant 4 : i32
          %shift_left3A_520 = arith.shli %and3A_518, %shift_left3A_519 : i32
          %add3A_521 = arith.addi %shift_left3A_516, %shift_left3A_520 : i32
          %add3A_522 = vector.broadcast %add3A_521 : i32 to vector<16xi32>
          %add3A_523 = arith.addi %add3A_339, %add3A_522 : vector<16xi32>
          tpu.vector_store_idx %arg8[%add3A_523], %gather3A_512 : memref<16384xf32, #tpu.memory_space<vmem>>[vector<16xi32>], vector<16xf32>,
          %scan3A_524 = arith.constant 10 : i32
          %scan3A_525 = arith.addi %scan3A_346, %scan3A_524 : i32
          %shift_left3A_526 = arith.constant 4 : i32
          %shift_left3A_527 = arith.shli %scan3A_525, %shift_left3A_526 : i32
          %add3A_528 = vector.broadcast %shift_left3A_527 : i32 to vector<16xi32>
          %add3A_529 = arith.addi %iota3A, %add3A_528 : vector<16xi32>
          %gather3A_530 = tpu.vector_load_idx %arg6[%add3A_529, %and3A_325] : memref<512x32xf32, #tpu.memory_space<vmem>>[vector<16xi32>, vector<16xi32>], vector<16xf32>,
          %shift_right_arithmetic3A_531 = arith.constant 3 : i32
          %shift_right_arithmetic3A_532 = arith.shrsi %scan3A_525, %shift_right_arithmetic3A_531 : i32
          %shift_left3A_533 = arith.constant 10 : i32
          %shift_left3A_534 = arith.shli %shift_right_arithmetic3A_532, %shift_left3A_533 : i32
          %and3A_535 = arith.constant 7 : i32
          %and3A_536 = arith.andi %scan3A_525, %and3A_535 : i32
          %shift_left3A_537 = arith.constant 4 : i32
          %shift_left3A_538 = arith.shli %and3A_536, %shift_left3A_537 : i32
          %add3A_539 = arith.addi %shift_left3A_534, %shift_left3A_538 : i32
          %add3A_540 = vector.broadcast %add3A_539 : i32 to vector<16xi32>
          %add3A_541 = arith.addi %add3A_339, %add3A_540 : vector<16xi32>
          tpu.vector_store_idx %arg8[%add3A_541], %gather3A_530 : memref<16384xf32, #tpu.memory_space<vmem>>[vector<16xi32>], vector<16xf32>,
          %scan3A_542 = arith.constant 11 : i32
          %scan3A_543 = arith.addi %scan3A_346, %scan3A_542 : i32
          %shift_left3A_544 = arith.constant 4 : i32
          %shift_left3A_545 = arith.shli %scan3A_543, %shift_left3A_544 : i32
          %add3A_546 = vector.broadcast %shift_left3A_545 : i32 to vector<16xi32>
          %add3A_547 = arith.addi %iota3A, %add3A_546 : vector<16xi32>
          %gather3A_548 = tpu.vector_load_idx %arg6[%add3A_547, %and3A_325] : memref<512x32xf32, #tpu.memory_space<vmem>>[vector<16xi32>, vector<16xi32>], vector<16xf32>,
          %shift_right_arithmetic3A_549 = arith.constant 3 : i32
          %shift_right_arithmetic3A_550 = arith.shrsi %scan3A_543, %shift_right_arithmetic3A_549 : i32
          %shift_left3A_551 = arith.constant 10 : i32
          %shift_left3A_552 = arith.shli %shift_right_arithmetic3A_550, %shift_left3A_551 : i32
          %and3A_553 = arith.constant 7 : i32
          %and3A_554 = arith.andi %scan3A_543, %and3A_553 : i32
          %shift_left3A_555 = arith.constant 4 : i32
          %shift_left3A_556 = arith.shli %and3A_554, %shift_left3A_555 : i32
          %add3A_557 = arith.addi %shift_left3A_552, %shift_left3A_556 : i32
          %add3A_558 = vector.broadcast %add3A_557 : i32 to vector<16xi32>
          %add3A_559 = arith.addi %add3A_339, %add3A_558 : vector<16xi32>
          tpu.vector_store_idx %arg8[%add3A_559], %gather3A_548 : memref<16384xf32, #tpu.memory_space<vmem>>[vector<16xi32>], vector<16xf32>,
          %scan3A_560 = arith.constant 12 : i32
          %scan3A_561 = arith.addi %scan3A_346, %scan3A_560 : i32
          %shift_left3A_562 = arith.constant 4 : i32
          %shift_left3A_563 = arith.shli %scan3A_561, %shift_left3A_562 : i32
          %add3A_564 = vector.broadcast %shift_left3A_563 : i32 to vector<16xi32>
          %add3A_565 = arith.addi %iota3A, %add3A_564 : vector<16xi32>
          %gather3A_566 = tpu.vector_load_idx %arg6[%add3A_565, %and3A_325] : memref<512x32xf32, #tpu.memory_space<vmem>>[vector<16xi32>, vector<16xi32>], vector<16xf32>,
          %shift_right_arithmetic3A_567 = arith.constant 3 : i32
          %shift_right_arithmetic3A_568 = arith.shrsi %scan3A_561, %shift_right_arithmetic3A_567 : i32
          %shift_left3A_569 = arith.constant 10 : i32
          %shift_left3A_570 = arith.shli %shift_right_arithmetic3A_568, %shift_left3A_569 : i32
          %and3A_571 = arith.constant 7 : i32
          %and3A_572 = arith.andi %scan3A_561, %and3A_571 : i32
          %shift_left3A_573 = arith.constant 4 : i32
          %shift_left3A_574 = arith.shli %and3A_572, %shift_left3A_573 : i32
          %add3A_575 = arith.addi %shift_left3A_570, %shift_left3A_574 : i32
          %add3A_576 = vector.broadcast %add3A_575 : i32 to vector<16xi32>
          %add3A_577 = arith.addi %add3A_339, %add3A_576 : vector<16xi32>
          tpu.vector_store_idx %arg8[%add3A_577], %gather3A_566 : memref<16384xf32, #tpu.memory_space<vmem>>[vector<16xi32>], vector<16xf32>,
          %scan3A_578 = arith.constant 13 : i32
          %scan3A_579 = arith.addi %scan3A_346, %scan3A_578 : i32
          %shift_left3A_580 = arith.constant 4 : i32
          %shift_left3A_581 = arith.shli %scan3A_579, %shift_left3A_580 : i32
          %add3A_582 = vector.broadcast %shift_left3A_581 : i32 to vector<16xi32>
          %add3A_583 = arith.addi %iota3A, %add3A_582 : vector<16xi32>
          %gather3A_584 = tpu.vector_load_idx %arg6[%add3A_583, %and3A_325] : memref<512x32xf32, #tpu.memory_space<vmem>>[vector<16xi32>, vector<16xi32>], vector<16xf32>,
          %shift_right_arithmetic3A_585 = arith.constant 3 : i32
          %shift_right_arithmetic3A_586 = arith.shrsi %scan3A_579, %shift_right_arithmetic3A_585 : i32
          %shift_left3A_587 = arith.constant 10 : i32
          %shift_left3A_588 = arith.shli %shift_right_arithmetic3A_586, %shift_left3A_587 : i32
          %and3A_589 = arith.constant 7 : i32
          %and3A_590 = arith.andi %scan3A_579, %and3A_589 : i32
          %shift_left3A_591 = arith.constant 4 : i32
          %shift_left3A_592 = arith.shli %and3A_590, %shift_left3A_591 : i32
          %add3A_593 = arith.addi %shift_left3A_588, %shift_left3A_592 : i32
          %add3A_594 = vector.broadcast %add3A_593 : i32 to vector<16xi32>
          %add3A_595 = arith.addi %add3A_339, %add3A_594 : vector<16xi32>
          tpu.vector_store_idx %arg8[%add3A_595], %gather3A_584 : memref<16384xf32, #tpu.memory_space<vmem>>[vector<16xi32>], vector<16xf32>,
          %scan3A_596 = arith.constant 14 : i32
          %scan3A_597 = arith.addi %scan3A_346, %scan3A_596 : i32
          %shift_left3A_598 = arith.constant 4 : i32
          %shift_left3A_599 = arith.shli %scan3A_597, %shift_left3A_598 : i32
          %add3A_600 = vector.broadcast %shift_left3A_599 : i32 to vector<16xi32>
          %add3A_601 = arith.addi %iota3A, %add3A_600 : vector<16xi32>
          %gather3A_602 = tpu.vector_load_idx %arg6[%add3A_601, %and3A_325] : memref<512x32xf32, #tpu.memory_space<vmem>>[vector<16xi32>, vector<16xi32>], vector<16xf32>,
          %shift_right_arithmetic3A_603 = arith.constant 3 : i32
          %shift_right_arithmetic3A_604 = arith.shrsi %scan3A_597, %shift_right_arithmetic3A_603 : i32
          %shift_left3A_605 = arith.constant 10 : i32
          %shift_left3A_606 = arith.shli %shift_right_arithmetic3A_604, %shift_left3A_605 : i32
          %and3A_607 = arith.constant 7 : i32
          %and3A_608 = arith.andi %scan3A_597, %and3A_607 : i32
          %shift_left3A_609 = arith.constant 4 : i32
          %shift_left3A_610 = arith.shli %and3A_608, %shift_left3A_609 : i32
          %add3A_611 = arith.addi %shift_left3A_606, %shift_left3A_610 : i32
          %add3A_612 = vector.broadcast %add3A_611 : i32 to vector<16xi32>
          %add3A_613 = arith.addi %add3A_339, %add3A_612 : vector<16xi32>
          tpu.vector_store_idx %arg8[%add3A_613], %gather3A_602 : memref<16384xf32, #tpu.memory_space<vmem>>[vector<16xi32>], vector<16xf32>,
          %scan3A_614 = arith.constant 15 : i32
          %scan3A_615 = arith.addi %scan3A_346, %scan3A_614 : i32
          %shift_left3A_616 = arith.constant 4 : i32
          %shift_left3A_617 = arith.shli %scan3A_615, %shift_left3A_616 : i32
          %add3A_618 = vector.broadcast %shift_left3A_617 : i32 to vector<16xi32>
          %add3A_619 = arith.addi %iota3A, %add3A_618 : vector<16xi32>
          %gather3A_620 = tpu.vector_load_idx %arg6[%add3A_619, %and3A_325] : memref<512x32xf32, #tpu.memory_space<vmem>>[vector<16xi32>, vector<16xi32>], vector<16xf32>,
          %shift_right_arithmetic3A_621 = arith.constant 3 : i32
          %shift_right_arithmetic3A_622 = arith.shrsi %scan3A_615, %shift_right_arithmetic3A_621 : i32
          %shift_left3A_623 = arith.constant 10 : i32
          %shift_left3A_624 = arith.shli %shift_right_arithmetic3A_622, %shift_left3A_623 : i32
          %and3A_625 = arith.constant 7 : i32
          %and3A_626 = arith.andi %scan3A_615, %and3A_625 : i32
          %shift_left3A_627 = arith.constant 4 : i32
          %shift_left3A_628 = arith.shli %and3A_626, %shift_left3A_627 : i32
          %add3A_629 = arith.addi %shift_left3A_624, %shift_left3A_628 : i32
          %add3A_630 = vector.broadcast %add3A_629 : i32 to vector<16xi32>
          %add3A_631 = arith.addi %add3A_339, %add3A_630 : vector<16xi32>
          tpu.vector_store_idx %arg8[%add3A_631], %gather3A_620 : memref<16384xf32, #tpu.memory_space<vmem>>[vector<16xi32>], vector<16xf32>,
        }
        %scan3A_345 = arith.constant 32 : i32
      }
      %scan3A_151 = arith.constant 32 : i32
      %add3A_152 = arith.addi %mul3A_2, %add3A_131 : i32
      %shift_right_arithmetic3A_153 = arith.constant 5 : i32
      %shift_right_arithmetic3A_154 = arith.shrsi %add3A_152, %shift_right_arithmetic3A_153 : i32
      %and3A_155 = arith.constant 31 : i32
      %and3A_156 = arith.andi %add3A_152, %and3A_155 : i32
      %mul3A_157 = arith.constant 524288 : i32
      %mul3A_158 = arith.muli %shift_right_arithmetic3A_154, %mul3A_157 : i32
      %add3A_159 = arith.constant 0 : i32
      %add3A_160 = arith.addi %mul3A_158, %add3A_159 : i32
      %mul3A_161 = arith.constant 4096 : i32
      %mul3A_162 = arith.muli %and3A_156, %mul3A_161 : i32
      %add3A_163 = arith.addi %add3A_160, %mul3A_162 : i32
      %mul3A_164 = arith.constant 524288 : i32
      %mul3A_165 = arith.muli %shift_right_arithmetic3A_154, %mul3A_164 : i32
      %add3A_166 = arith.constant 131072 : i32
      %add3A_167 = arith.addi %mul3A_165, %add3A_166 : i32
      %mul3A_168 = arith.constant 4096 : i32
      %mul3A_169 = arith.muli %and3A_156, %mul3A_168 : i32
      %add3A_170 = arith.addi %add3A_167, %mul3A_169 : i32
      %mul3A_171 = arith.constant 524288 : i32
      %mul3A_172 = arith.muli %shift_right_arithmetic3A_154, %mul3A_171 : i32
      %add3A_173 = arith.constant 262144 : i32
      %add3A_174 = arith.addi %mul3A_172, %add3A_173 : i32
      %mul3A_175 = arith.constant 4096 : i32
      %mul3A_176 = arith.muli %and3A_156, %mul3A_175 : i32
      %add3A_177 = arith.addi %add3A_174, %mul3A_176 : i32
      %mul3A_178 = arith.constant 524288 : i32
      %mul3A_179 = arith.muli %shift_right_arithmetic3A_154, %mul3A_178 : i32
      %add3A_180 = arith.constant 393216 : i32
      %add3A_181 = arith.addi %mul3A_179, %add3A_180 : i32
      %mul3A_182 = arith.constant 4096 : i32
      %mul3A_183 = arith.muli %and3A_156, %mul3A_182 : i32
      %add3A_184 = arith.addi %add3A_181, %mul3A_183 : i32
      %dma_start3A_185 = arith.constant 0 : i32
      %dma_start3A_186 = tpu.memref_slice %arg8[%dma_start3A_185] : memref<16384xf32, #tpu.memory_space<vmem>> -> memref<4096xf32, #tpu.memory_space<vmem>>
      %dma_start3A_187 = tpu.memref_slice %arg4[%add3A_163] : memref<26214400xf32, #tpu.memory_space<hbm>> -> memref<4096xf32, #tpu.memory_space<hbm>>
      %dma_start3A_188 = tpu.memref_slice %arg4[%add3A_163] : memref<26214400xf32, #tpu.memory_space<hbm>> -> memref<4096xf32, #tpu.memory_space<hbm>>
      %dma_start3A_189 = arith.constant 0 : i32
      %dma_start3A_190 = tpu.memref_slice %arg8[%dma_start3A_189] : memref<16384xf32, #tpu.memory_space<vmem>> -> memref<4096xf32, #tpu.memory_space<vmem>>
      tpu.enqueue_dma source(%dma_start3A_190 : memref<4096xf32, #tpu.memory_space<vmem>>) target(%dma_start3A_188 : memref<4096xf32, #tpu.memory_space<hbm>>) target_semaphore(%arg12 : memref<!tpu.dma_semaphore, #tpu.memory_space<semaphore_mem>>)
      %dma_start3A_191 = arith.constant 4096 : i32
      %dma_start3A_192 = tpu.memref_slice %arg8[%dma_start3A_191] : memref<16384xf32, #tpu.memory_space<vmem>> -> memref<4096xf32, #tpu.memory_space<vmem>>
      %dma_start3A_193 = tpu.memref_slice %arg4[%add3A_170] : memref<26214400xf32, #tpu.memory_space<hbm>> -> memref<4096xf32, #tpu.memory_space<hbm>>
      %dma_start3A_194 = tpu.memref_slice %arg4[%add3A_170] : memref<26214400xf32, #tpu.memory_space<hbm>> -> memref<4096xf32, #tpu.memory_space<hbm>>
      %dma_start3A_195 = arith.constant 4096 : i32
      %dma_start3A_196 = tpu.memref_slice %arg8[%dma_start3A_195] : memref<16384xf32, #tpu.memory_space<vmem>> -> memref<4096xf32, #tpu.memory_space<vmem>>
      tpu.enqueue_dma source(%dma_start3A_196 : memref<4096xf32, #tpu.memory_space<vmem>>) target(%dma_start3A_194 : memref<4096xf32, #tpu.memory_space<hbm>>) target_semaphore(%arg12 : memref<!tpu.dma_semaphore, #tpu.memory_space<semaphore_mem>>)
      %dma_start3A_197 = arith.constant 8192 : i32
      %dma_start3A_198 = tpu.memref_slice %arg8[%dma_start3A_197] : memref<16384xf32, #tpu.memory_space<vmem>> -> memref<4096xf32, #tpu.memory_space<vmem>>
      %dma_start3A_199 = tpu.memref_slice %arg4[%add3A_177] : memref<26214400xf32, #tpu.memory_space<hbm>> -> memref<4096xf32, #tpu.memory_space<hbm>>
      %dma_start3A_200 = tpu.memref_slice %arg4[%add3A_177] : memref<26214400xf32, #tpu.memory_space<hbm>> -> memref<4096xf32, #tpu.memory_space<hbm>>
      %dma_start3A_201 = arith.constant 8192 : i32
      %dma_start3A_202 = tpu.memref_slice %arg8[%dma_start3A_201] : memref<16384xf32, #tpu.memory_space<vmem>> -> memref<4096xf32, #tpu.memory_space<vmem>>
      tpu.enqueue_dma source(%dma_start3A_202 : memref<4096xf32, #tpu.memory_space<vmem>>) target(%dma_start3A_200 : memref<4096xf32, #tpu.memory_space<hbm>>) target_semaphore(%arg12 : memref<!tpu.dma_semaphore, #tpu.memory_space<semaphore_mem>>)
      %dma_start3A_203 = arith.constant 12288 : i32
      %dma_start3A_204 = tpu.memref_slice %arg8[%dma_start3A_203] : memref<16384xf32, #tpu.memory_space<vmem>> -> memref<4096xf32, #tpu.memory_space<vmem>>
      %dma_start3A_205 = tpu.memref_slice %arg4[%add3A_184] : memref<26214400xf32, #tpu.memory_space<hbm>> -> memref<4096xf32, #tpu.memory_space<hbm>>
      %dma_start3A_206 = tpu.memref_slice %arg4[%add3A_184] : memref<26214400xf32, #tpu.memory_space<hbm>> -> memref<4096xf32, #tpu.memory_space<hbm>>
      %dma_start3A_207 = arith.constant 12288 : i32
      %dma_start3A_208 = tpu.memref_slice %arg8[%dma_start3A_207] : memref<16384xf32, #tpu.memory_space<vmem>> -> memref<4096xf32, #tpu.memory_space<vmem>>
      tpu.enqueue_dma source(%dma_start3A_208 : memref<4096xf32, #tpu.memory_space<vmem>>) target(%dma_start3A_206 : memref<4096xf32, #tpu.memory_space<hbm>>) target_semaphore(%arg12 : memref<!tpu.dma_semaphore, #tpu.memory_space<semaphore_mem>>)
      %mul3A_209 = arith.constant 2 : i32
      %mul3A_210 = arith.muli %mul3A_209, %scan3A_127 : i32
      %add3A_211 = arith.constant 1 : i32
      %add3A_212 = arith.addi %mul3A_210, %add3A_211 : i32
      %add3A_213 = arith.constant 1 : i32
      %add3A_214 = arith.addi %add3A_212, %add3A_213 : i32
      %lt3A_215 = arith.constant 50 : i32
      %lt3A_216 = arith.cmpi slt, %add3A_214, %lt3A_215 : i32
      %convert_element_type3A_217 = arith.extui %lt3A_216 : i1 to i32
      %cond3A_218 = arith.constant 0 : i32
      %cond3A_219 = arith.cmpi ne, %convert_element_type3A_217, %cond3A_218 : i32
      scf.if %cond3A_219 {
        %add3A_294 = arith.constant 1 : i32
        %add3A_295 = arith.addi %add3A_212, %add3A_294 : i32
        %mul3A_296 = arith.constant 512 : i32
        %mul3A_297 = arith.muli %add3A_295, %mul3A_296 : i32
        %dma_start3A_298 = tpu.memref_slice %arg5[%mul3A_297] : memref<25600xi32, #tpu.memory_space<vmem>> -> memref<512xi32, #tpu.memory_space<vmem>>
        %dma_start3A_299 = arith.constant 0 : i32
        %dma_start3A_300 = arith.constant 0 : i32
        %dma_start3A_301 = tpu.memref_slice %arg2[%dma_start3A_299, %dma_start3A_300] : memref<1000000x32xf32, #tpu.memory_space<hbm>> -> memref<1000000x32xf32, #tpu.memory_space<hbm>>
        tpu.enqueue_indirect_dma source(%dma_start3A_301 : memref<1000000x32xf32, #tpu.memory_space<hbm>>) target(%arg6 : memref<512x32xf32, #tpu.memory_space<vmem>>) offsets(%dma_start3A_298 : memref<512xi32, #tpu.memory_space<vmem>>) semaphore(%arg10 : memref<!tpu.dma_semaphore, #tpu.memory_space<semaphore_mem>>)
      } else {
      }
      %mul3A_220 = arith.constant 512 : i32
      %mul3A_221 = arith.muli %add3A_212, %mul3A_220 : i32
      %dma_wait3A_222 = tpu.memref_slice %arg5[%mul3A_221] : memref<25600xi32, #tpu.memory_space<vmem>> -> memref<512xi32, #tpu.memory_space<vmem>>
      %dma_wait3A_223 = arith.constant 0 : i32
      %dma_wait3A_224 = arith.constant 0 : i32
      %dma_wait3A_225 = tpu.memref_slice %arg2[%dma_wait3A_223, %dma_wait3A_224] : memref<1000000x32xf32, #tpu.memory_space<hbm>> -> memref<1000000x32xf32, #tpu.memory_space<hbm>>
      tpu.wait_indirect_dma semaphore(%arg11 : memref<!tpu.dma_semaphore, #tpu.memory_space<semaphore_mem>>) src(%dma_wait3A_225 : memref<1000000x32xf32, #tpu.memory_space<hbm>>) dst(%arg7 : memref<512x32xf32, #tpu.memory_space<vmem>>)
      %ge3A_226 = arith.constant 2 : i32
      %ge3A_227 = arith.cmpi sge, %add3A_212, %ge3A_226 : i32
      %convert_element_type3A_228 = arith.extui %ge3A_227 : i1 to i32
      %cond3A_229 = arith.constant 0 : i32
      %cond3A_230 = arith.cmpi ne, %convert_element_type3A_228, %cond3A_229 : i32
      scf.if %cond3A_230 {
        %sub3A = arith.constant 2 : i32
        %sub3A_294 = arith.subi %add3A_212, %sub3A : i32
        %add3A_295 = arith.addi %mul3A_2, %sub3A_294 : i32
        %shift_right_arithmetic3A_296 = arith.constant 5 : i32
        %shift_right_arithmetic3A_297 = arith.shrsi %add3A_295, %shift_right_arithmetic3A_296 : i32
        %and3A_298 = arith.constant 31 : i32
        %and3A_299 = arith.andi %add3A_295, %and3A_298 : i32
        %mul3A_300 = arith.constant 524288 : i32
        %mul3A_301 = arith.muli %shift_right_arithmetic3A_297, %mul3A_300 : i32
        %add3A_302 = arith.constant 0 : i32
        %add3A_303 = arith.addi %mul3A_301, %add3A_302 : i32
        %mul3A_304 = arith.constant 4096 : i32
        %mul3A_305 = arith.muli %and3A_299, %mul3A_304 : i32
        %add3A_306 = arith.addi %add3A_303, %mul3A_305 : i32
        %mul3A_307 = arith.constant 524288 : i32
        %mul3A_308 = arith.muli %shift_right_arithmetic3A_297, %mul3A_307 : i32
        %add3A_309 = arith.constant 131072 : i32
        %add3A_310 = arith.addi %mul3A_308, %add3A_309 : i32
        %mul3A_311 = arith.constant 4096 : i32
        %mul3A_312 = arith.muli %and3A_299, %mul3A_311 : i32
        %add3A_313 = arith.addi %add3A_310, %mul3A_312 : i32
        %mul3A_314 = arith.constant 524288 : i32
        %mul3A_315 = arith.muli %shift_right_arithmetic3A_297, %mul3A_314 : i32
        %add3A_316 = arith.constant 262144 : i32
        %add3A_317 = arith.addi %mul3A_315, %add3A_316 : i32
        %mul3A_318 = arith.constant 4096 : i32
        %mul3A_319 = arith.muli %and3A_299, %mul3A_318 : i32
        %add3A_320 = arith.addi %add3A_317, %mul3A_319 : i32
        %mul3A_321 = arith.constant 524288 : i32
        %mul3A_322 = arith.muli %shift_right_arithmetic3A_297, %mul3A_321 : i32
        %add3A_323 = arith.constant 393216 : i32
        %add3A_324 = arith.addi %mul3A_322, %add3A_323 : i32
        %mul3A_325 = arith.constant 4096 : i32
        %mul3A_326 = arith.muli %and3A_299, %mul3A_325 : i32
        %add3A_327 = arith.addi %add3A_324, %mul3A_326 : i32
        %dma_wait3A_328 = arith.constant 0 : i32
        %dma_wait3A_329 = tpu.memref_slice %arg9[%dma_wait3A_328] : memref<16384xf32, #tpu.memory_space<vmem>> -> memref<4096xf32, #tpu.memory_space<vmem>>
        %dma_wait3A_330 = tpu.memref_slice %arg4[%add3A_306] : memref<26214400xf32, #tpu.memory_space<hbm>> -> memref<4096xf32, #tpu.memory_space<hbm>>
        %dma_wait3A_331 = tpu.memref_slice %arg4[%add3A_306] : memref<26214400xf32, #tpu.memory_space<hbm>> -> memref<4096xf32, #tpu.memory_space<hbm>>
        %dma_wait3A_332 = arith.constant 0 : i32
        %dma_wait3A_333 = tpu.memref_slice %arg9[%dma_wait3A_332] : memref<16384xf32, #tpu.memory_space<vmem>> -> memref<4096xf32, #tpu.memory_space<vmem>>
        tpu.wait_dma2 semaphore(%arg13 : memref<!tpu.dma_semaphore, #tpu.memory_space<semaphore_mem>>) src(%dma_wait3A_333 : memref<4096xf32, #tpu.memory_space<vmem>>) dst(%dma_wait3A_331 : memref<4096xf32, #tpu.memory_space<hbm>>)
        %dma_wait3A_334 = arith.constant 4096 : i32
        %dma_wait3A_335 = tpu.memref_slice %arg9[%dma_wait3A_334] : memref<16384xf32, #tpu.memory_space<vmem>> -> memref<4096xf32, #tpu.memory_space<vmem>>
        %dma_wait3A_336 = tpu.memref_slice %arg4[%add3A_313] : memref<26214400xf32, #tpu.memory_space<hbm>> -> memref<4096xf32, #tpu.memory_space<hbm>>
        %dma_wait3A_337 = tpu.memref_slice %arg4[%add3A_313] : memref<26214400xf32, #tpu.memory_space<hbm>> -> memref<4096xf32, #tpu.memory_space<hbm>>
        %dma_wait3A_338 = arith.constant 4096 : i32
        %dma_wait3A_339 = tpu.memref_slice %arg9[%dma_wait3A_338] : memref<16384xf32, #tpu.memory_space<vmem>> -> memref<4096xf32, #tpu.memory_space<vmem>>
        tpu.wait_dma2 semaphore(%arg13 : memref<!tpu.dma_semaphore, #tpu.memory_space<semaphore_mem>>) src(%dma_wait3A_339 : memref<4096xf32, #tpu.memory_space<vmem>>) dst(%dma_wait3A_337 : memref<4096xf32, #tpu.memory_space<hbm>>)
        %dma_wait3A_340 = arith.constant 8192 : i32
        %dma_wait3A_341 = tpu.memref_slice %arg9[%dma_wait3A_340] : memref<16384xf32, #tpu.memory_space<vmem>> -> memref<4096xf32, #tpu.memory_space<vmem>>
        %dma_wait3A_342 = tpu.memref_slice %arg4[%add3A_320] : memref<26214400xf32, #tpu.memory_space<hbm>> -> memref<4096xf32, #tpu.memory_space<hbm>>
        %dma_wait3A_343 = tpu.memref_slice %arg4[%add3A_320] : memref<26214400xf32, #tpu.memory_space<hbm>> -> memref<4096xf32, #tpu.memory_space<hbm>>
        %dma_wait3A_344 = arith.constant 8192 : i32
        %dma_wait3A_345 = tpu.memref_slice %arg9[%dma_wait3A_344] : memref<16384xf32, #tpu.memory_space<vmem>> -> memref<4096xf32, #tpu.memory_space<vmem>>
        tpu.wait_dma2 semaphore(%arg13 : memref<!tpu.dma_semaphore, #tpu.memory_space<semaphore_mem>>) src(%dma_wait3A_345 : memref<4096xf32, #tpu.memory_space<vmem>>) dst(%dma_wait3A_343 : memref<4096xf32, #tpu.memory_space<hbm>>)
        %dma_wait3A_346 = arith.constant 12288 : i32
        %dma_wait3A_347 = tpu.memref_slice %arg9[%dma_wait3A_346] : memref<16384xf32, #tpu.memory_space<vmem>> -> memref<4096xf32, #tpu.memory_space<vmem>>
        %dma_wait3A_348 = tpu.memref_slice %arg4[%add3A_327] : memref<26214400xf32, #tpu.memory_space<hbm>> -> memref<4096xf32, #tpu.memory_space<hbm>>
        %dma_wait3A_349 = tpu.memref_slice %arg4[%add3A_327] : memref<26214400xf32, #tpu.memory_space<hbm>> -> memref<4096xf32, #tpu.memory_space<hbm>>
        %dma_wait3A_350 = arith.constant 12288 : i32
        %dma_wait3A_351 = tpu.memref_slice %arg9[%dma_wait3A_350] : memref<16384xf32, #tpu.memory_space<vmem>> -> memref<4096xf32, #tpu.memory_space<vmem>>
        tpu.wait_dma2 semaphore(%arg13 : memref<!tpu.dma_semaphore, #tpu.memory_space<semaphore_mem>>) src(%dma_wait3A_351 : memref<4096xf32, #tpu.memory_space<vmem>>) dst(%dma_wait3A_349 : memref<4096xf32, #tpu.memory_space<hbm>>)
      } else {
      }
      %scan3A_231 = arith.constant 0 : i32
      %scan3A_232 = arith.constant 0 : i32
      %scan3A_233 = arith.constant 32 : i32
      %scan3A_234 = arith.addi %scan3A_232, %scan3A_233 : i32
      %scan3A_235 = arith.constant 2 : i32
      scf.for %scan3A_294 = %scan3A_232 to %scan3A_234 step %scan3A_235  : i32 {
        %add3A_295 = vector.broadcast %scan3A_294 : i32 to vector<16xi32>
        %add3A_296 = arith.addi %iota3A, %add3A_295 : vector<16xi32>
        %and3A_297 = arith.constant 31 : i32
        %and3A_298 = vector.broadcast %and3A_297 : i32 to vector<16xi32>
        %and3A_299 = arith.andi %add3A_296, %and3A_298 : vector<16xi32>
        %shift_right_arithmetic3A_300 = arith.constant 3 : i32
        %shift_right_arithmetic3A_301 = vector.broadcast %shift_right_arithmetic3A_300 : i32 to vector<16xi32>
        %shift_right_arithmetic3A_302 = arith.shrsi %and3A_299, %shift_right_arithmetic3A_301 : vector<16xi32>
        %shift_left3A = arith.constant 12 : i32
        %shift_left3A_303 = vector.broadcast %shift_left3A : i32 to vector<16xi32>
        %shift_left3A_304 = arith.shli %shift_right_arithmetic3A_302, %shift_left3A_303 : vector<16xi32>
        %and3A_305 = arith.constant 7 : i32
        %and3A_306 = vector.broadcast %and3A_305 : i32 to vector<16xi32>
        %and3A_307 = arith.andi %and3A_299, %and3A_306 : vector<16xi32>
        %shift_left3A_308 = arith.constant 7 : i32
        %shift_left3A_309 = vector.broadcast %shift_left3A_308 : i32 to vector<16xi32>
        %shift_left3A_310 = arith.shli %and3A_307, %shift_left3A_309 : vector<16xi32>
        %add3A_311 = arith.addi %shift_left3A_304, %shift_left3A_310 : vector<16xi32>
        %add3A_312 = arith.addi %add3A_311, %iota3A : vector<16xi32>
        %scan3A_313 = arith.constant 0 : i32
        %scan3A_314 = arith.constant 0 : i32
        %scan3A_315 = arith.constant 32 : i32
        %scan3A_316 = arith.addi %scan3A_314, %scan3A_315 : i32
        %scan3A_317 = arith.constant 16 : i32
        scf.for %scan3A_346 = %scan3A_314 to %scan3A_316 step %scan3A_317  : i32 {
          %shift_left3A_347 = arith.constant 4 : i32
          %shift_left3A_348 = arith.shli %scan3A_346, %shift_left3A_347 : i32
          %add3A_349 = vector.broadcast %shift_left3A_348 : i32 to vector<16xi32>
          %add3A_350 = arith.addi %iota3A, %add3A_349 : vector<16xi32>
          %gather3A = tpu.vector_load_idx %arg7[%add3A_350, %and3A_299] : memref<512x32xf32, #tpu.memory_space<vmem>>[vector<16xi32>, vector<16xi32>], vector<16xf32>,
          %shift_right_arithmetic3A_351 = arith.constant 3 : i32
          %shift_right_arithmetic3A_352 = arith.shrsi %scan3A_346, %shift_right_arithmetic3A_351 : i32
          %shift_left3A_353 = arith.constant 10 : i32
          %shift_left3A_354 = arith.shli %shift_right_arithmetic3A_352, %shift_left3A_353 : i32
          %and3A_355 = arith.constant 7 : i32
          %and3A_356 = arith.andi %scan3A_346, %and3A_355 : i32
          %shift_left3A_357 = arith.constant 4 : i32
          %shift_left3A_358 = arith.shli %and3A_356, %shift_left3A_357 : i32
          %add3A_359 = arith.addi %shift_left3A_354, %shift_left3A_358 : i32
          %add3A_360 = vector.broadcast %add3A_359 : i32 to vector<16xi32>
          %add3A_361 = arith.addi %add3A_312, %add3A_360 : vector<16xi32>
          tpu.vector_store_idx %arg9[%add3A_361], %gather3A : memref<16384xf32, #tpu.memory_space<vmem>>[vector<16xi32>], vector<16xf32>,
          %scan3A_362 = arith.constant 1 : i32
          %scan3A_363 = arith.addi %scan3A_346, %scan3A_362 : i32
          %shift_left3A_364 = arith.constant 4 : i32
          %shift_left3A_365 = arith.shli %scan3A_363, %shift_left3A_364 : i32
          %add3A_366 = vector.broadcast %shift_left3A_365 : i32 to vector<16xi32>
          %add3A_367 = arith.addi %iota3A, %add3A_366 : vector<16xi32>
          %gather3A_368 = tpu.vector_load_idx %arg7[%add3A_367, %and3A_299] : memref<512x32xf32, #tpu.memory_space<vmem>>[vector<16xi32>, vector<16xi32>], vector<16xf32>,
          %shift_right_arithmetic3A_369 = arith.constant 3 : i32
          %shift_right_arithmetic3A_370 = arith.shrsi %scan3A_363, %shift_right_arithmetic3A_369 : i32
          %shift_left3A_371 = arith.constant 10 : i32
          %shift_left3A_372 = arith.shli %shift_right_arithmetic3A_370, %shift_left3A_371 : i32
          %and3A_373 = arith.constant 7 : i32
          %and3A_374 = arith.andi %scan3A_363, %and3A_373 : i32
          %shift_left3A_375 = arith.constant 4 : i32
          %shift_left3A_376 = arith.shli %and3A_374, %shift_left3A_375 : i32
          %add3A_377 = arith.addi %shift_left3A_372, %shift_left3A_376 : i32
          %add3A_378 = vector.broadcast %add3A_377 : i32 to vector<16xi32>
          %add3A_379 = arith.addi %add3A_312, %add3A_378 : vector<16xi32>
          tpu.vector_store_idx %arg9[%add3A_379], %gather3A_368 : memref<16384xf32, #tpu.memory_space<vmem>>[vector<16xi32>], vector<16xf32>,
          %scan3A_380 = arith.constant 2 : i32
          %scan3A_381 = arith.addi %scan3A_346, %scan3A_380 : i32
          %shift_left3A_382 = arith.constant 4 : i32
          %shift_left3A_383 = arith.shli %scan3A_381, %shift_left3A_382 : i32
          %add3A_384 = vector.broadcast %shift_left3A_383 : i32 to vector<16xi32>
          %add3A_385 = arith.addi %iota3A, %add3A_384 : vector<16xi32>
          %gather3A_386 = tpu.vector_load_idx %arg7[%add3A_385, %and3A_299] : memref<512x32xf32, #tpu.memory_space<vmem>>[vector<16xi32>, vector<16xi32>], vector<16xf32>,
          %shift_right_arithmetic3A_387 = arith.constant 3 : i32
          %shift_right_arithmetic3A_388 = arith.shrsi %scan3A_381, %shift_right_arithmetic3A_387 : i32
          %shift_left3A_389 = arith.constant 10 : i32
          %shift_left3A_390 = arith.shli %shift_right_arithmetic3A_388, %shift_left3A_389 : i32
          %and3A_391 = arith.constant 7 : i32
          %and3A_392 = arith.andi %scan3A_381, %and3A_391 : i32
          %shift_left3A_393 = arith.constant 4 : i32
          %shift_left3A_394 = arith.shli %and3A_392, %shift_left3A_393 : i32
          %add3A_395 = arith.addi %shift_left3A_390, %shift_left3A_394 : i32
          %add3A_396 = vector.broadcast %add3A_395 : i32 to vector<16xi32>
          %add3A_397 = arith.addi %add3A_312, %add3A_396 : vector<16xi32>
          tpu.vector_store_idx %arg9[%add3A_397], %gather3A_386 : memref<16384xf32, #tpu.memory_space<vmem>>[vector<16xi32>], vector<16xf32>,
          %scan3A_398 = arith.constant 3 : i32
          %scan3A_399 = arith.addi %scan3A_346, %scan3A_398 : i32
          %shift_left3A_400 = arith.constant 4 : i32
          %shift_left3A_401 = arith.shli %scan3A_399, %shift_left3A_400 : i32
          %add3A_402 = vector.broadcast %shift_left3A_401 : i32 to vector<16xi32>
          %add3A_403 = arith.addi %iota3A, %add3A_402 : vector<16xi32>
          %gather3A_404 = tpu.vector_load_idx %arg7[%add3A_403, %and3A_299] : memref<512x32xf32, #tpu.memory_space<vmem>>[vector<16xi32>, vector<16xi32>], vector<16xf32>,
          %shift_right_arithmetic3A_405 = arith.constant 3 : i32
          %shift_right_arithmetic3A_406 = arith.shrsi %scan3A_399, %shift_right_arithmetic3A_405 : i32
          %shift_left3A_407 = arith.constant 10 : i32
          %shift_left3A_408 = arith.shli %shift_right_arithmetic3A_406, %shift_left3A_407 : i32
          %and3A_409 = arith.constant 7 : i32
          %and3A_410 = arith.andi %scan3A_399, %and3A_409 : i32
          %shift_left3A_411 = arith.constant 4 : i32
          %shift_left3A_412 = arith.shli %and3A_410, %shift_left3A_411 : i32
          %add3A_413 = arith.addi %shift_left3A_408, %shift_left3A_412 : i32
          %add3A_414 = vector.broadcast %add3A_413 : i32 to vector<16xi32>
          %add3A_415 = arith.addi %add3A_312, %add3A_414 : vector<16xi32>
          tpu.vector_store_idx %arg9[%add3A_415], %gather3A_404 : memref<16384xf32, #tpu.memory_space<vmem>>[vector<16xi32>], vector<16xf32>,
          %scan3A_416 = arith.constant 4 : i32
          %scan3A_417 = arith.addi %scan3A_346, %scan3A_416 : i32
          %shift_left3A_418 = arith.constant 4 : i32
          %shift_left3A_419 = arith.shli %scan3A_417, %shift_left3A_418 : i32
          %add3A_420 = vector.broadcast %shift_left3A_419 : i32 to vector<16xi32>
          %add3A_421 = arith.addi %iota3A, %add3A_420 : vector<16xi32>
          %gather3A_422 = tpu.vector_load_idx %arg7[%add3A_421, %and3A_299] : memref<512x32xf32, #tpu.memory_space<vmem>>[vector<16xi32>, vector<16xi32>], vector<16xf32>,
          %shift_right_arithmetic3A_423 = arith.constant 3 : i32
          %shift_right_arithmetic3A_424 = arith.shrsi %scan3A_417, %shift_right_arithmetic3A_423 : i32
          %shift_left3A_425 = arith.constant 10 : i32
          %shift_left3A_426 = arith.shli %shift_right_arithmetic3A_424, %shift_left3A_425 : i32
          %and3A_427 = arith.constant 7 : i32
          %and3A_428 = arith.andi %scan3A_417, %and3A_427 : i32
          %shift_left3A_429 = arith.constant 4 : i32
          %shift_left3A_430 = arith.shli %and3A_428, %shift_left3A_429 : i32
          %add3A_431 = arith.addi %shift_left3A_426, %shift_left3A_430 : i32
          %add3A_432 = vector.broadcast %add3A_431 : i32 to vector<16xi32>
          %add3A_433 = arith.addi %add3A_312, %add3A_432 : vector<16xi32>
          tpu.vector_store_idx %arg9[%add3A_433], %gather3A_422 : memref<16384xf32, #tpu.memory_space<vmem>>[vector<16xi32>], vector<16xf32>,
          %scan3A_434 = arith.constant 5 : i32
          %scan3A_435 = arith.addi %scan3A_346, %scan3A_434 : i32
          %shift_left3A_436 = arith.constant 4 : i32
          %shift_left3A_437 = arith.shli %scan3A_435, %shift_left3A_436 : i32
          %add3A_438 = vector.broadcast %shift_left3A_437 : i32 to vector<16xi32>
          %add3A_439 = arith.addi %iota3A, %add3A_438 : vector<16xi32>
          %gather3A_440 = tpu.vector_load_idx %arg7[%add3A_439, %and3A_299] : memref<512x32xf32, #tpu.memory_space<vmem>>[vector<16xi32>, vector<16xi32>], vector<16xf32>,
          %shift_right_arithmetic3A_441 = arith.constant 3 : i32
          %shift_right_arithmetic3A_442 = arith.shrsi %scan3A_435, %shift_right_arithmetic3A_441 : i32
          %shift_left3A_443 = arith.constant 10 : i32
          %shift_left3A_444 = arith.shli %shift_right_arithmetic3A_442, %shift_left3A_443 : i32
          %and3A_445 = arith.constant 7 : i32
          %and3A_446 = arith.andi %scan3A_435, %and3A_445 : i32
          %shift_left3A_447 = arith.constant 4 : i32
          %shift_left3A_448 = arith.shli %and3A_446, %shift_left3A_447 : i32
          %add3A_449 = arith.addi %shift_left3A_444, %shift_left3A_448 : i32
          %add3A_450 = vector.broadcast %add3A_449 : i32 to vector<16xi32>
          %add3A_451 = arith.addi %add3A_312, %add3A_450 : vector<16xi32>
          tpu.vector_store_idx %arg9[%add3A_451], %gather3A_440 : memref<16384xf32, #tpu.memory_space<vmem>>[vector<16xi32>], vector<16xf32>,
          %scan3A_452 = arith.constant 6 : i32
          %scan3A_453 = arith.addi %scan3A_346, %scan3A_452 : i32
          %shift_left3A_454 = arith.constant 4 : i32
          %shift_left3A_455 = arith.shli %scan3A_453, %shift_left3A_454 : i32
          %add3A_456 = vector.broadcast %shift_left3A_455 : i32 to vector<16xi32>
          %add3A_457 = arith.addi %iota3A, %add3A_456 : vector<16xi32>
          %gather3A_458 = tpu.vector_load_idx %arg7[%add3A_457, %and3A_299] : memref<512x32xf32, #tpu.memory_space<vmem>>[vector<16xi32>, vector<16xi32>], vector<16xf32>,
          %shift_right_arithmetic3A_459 = arith.constant 3 : i32
          %shift_right_arithmetic3A_460 = arith.shrsi %scan3A_453, %shift_right_arithmetic3A_459 : i32
          %shift_left3A_461 = arith.constant 10 : i32
          %shift_left3A_462 = arith.shli %shift_right_arithmetic3A_460, %shift_left3A_461 : i32
          %and3A_463 = arith.constant 7 : i32
          %and3A_464 = arith.andi %scan3A_453, %and3A_463 : i32
          %shift_left3A_465 = arith.constant 4 : i32
          %shift_left3A_466 = arith.shli %and3A_464, %shift_left3A_465 : i32
          %add3A_467 = arith.addi %shift_left3A_462, %shift_left3A_466 : i32
          %add3A_468 = vector.broadcast %add3A_467 : i32 to vector<16xi32>
          %add3A_469 = arith.addi %add3A_312, %add3A_468 : vector<16xi32>
          tpu.vector_store_idx %arg9[%add3A_469], %gather3A_458 : memref<16384xf32, #tpu.memory_space<vmem>>[vector<16xi32>], vector<16xf32>,
          %scan3A_470 = arith.constant 7 : i32
          %scan3A_471 = arith.addi %scan3A_346, %scan3A_470 : i32
          %shift_left3A_472 = arith.constant 4 : i32
          %shift_left3A_473 = arith.shli %scan3A_471, %shift_left3A_472 : i32
          %add3A_474 = vector.broadcast %shift_left3A_473 : i32 to vector<16xi32>
          %add3A_475 = arith.addi %iota3A, %add3A_474 : vector<16xi32>
          %gather3A_476 = tpu.vector_load_idx %arg7[%add3A_475, %and3A_299] : memref<512x32xf32, #tpu.memory_space<vmem>>[vector<16xi32>, vector<16xi32>], vector<16xf32>,
          %shift_right_arithmetic3A_477 = arith.constant 3 : i32
          %shift_right_arithmetic3A_478 = arith.shrsi %scan3A_471, %shift_right_arithmetic3A_477 : i32
          %shift_left3A_479 = arith.constant 10 : i32
          %shift_left3A_480 = arith.shli %shift_right_arithmetic3A_478, %shift_left3A_479 : i32
          %and3A_481 = arith.constant 7 : i32
          %and3A_482 = arith.andi %scan3A_471, %and3A_481 : i32
          %shift_left3A_483 = arith.constant 4 : i32
          %shift_left3A_484 = arith.shli %and3A_482, %shift_left3A_483 : i32
          %add3A_485 = arith.addi %shift_left3A_480, %shift_left3A_484 : i32
          %add3A_486 = vector.broadcast %add3A_485 : i32 to vector<16xi32>
          %add3A_487 = arith.addi %add3A_312, %add3A_486 : vector<16xi32>
          tpu.vector_store_idx %arg9[%add3A_487], %gather3A_476 : memref<16384xf32, #tpu.memory_space<vmem>>[vector<16xi32>], vector<16xf32>,
          %scan3A_488 = arith.constant 8 : i32
          %scan3A_489 = arith.addi %scan3A_346, %scan3A_488 : i32
          %shift_left3A_490 = arith.constant 4 : i32
          %shift_left3A_491 = arith.shli %scan3A_489, %shift_left3A_490 : i32
          %add3A_492 = vector.broadcast %shift_left3A_491 : i32 to vector<16xi32>
          %add3A_493 = arith.addi %iota3A, %add3A_492 : vector<16xi32>
          %gather3A_494 = tpu.vector_load_idx %arg7[%add3A_493, %and3A_299] : memref<512x32xf32, #tpu.memory_space<vmem>>[vector<16xi32>, vector<16xi32>], vector<16xf32>,
          %shift_right_arithmetic3A_495 = arith.constant 3 : i32
          %shift_right_arithmetic3A_496 = arith.shrsi %scan3A_489, %shift_right_arithmetic3A_495 : i32
          %shift_left3A_497 = arith.constant 10 : i32
          %shift_left3A_498 = arith.shli %shift_right_arithmetic3A_496, %shift_left3A_497 : i32
          %and3A_499 = arith.constant 7 : i32
          %and3A_500 = arith.andi %scan3A_489, %and3A_499 : i32
          %shift_left3A_501 = arith.constant 4 : i32
          %shift_left3A_502 = arith.shli %and3A_500, %shift_left3A_501 : i32
          %add3A_503 = arith.addi %shift_left3A_498, %shift_left3A_502 : i32
          %add3A_504 = vector.broadcast %add3A_503 : i32 to vector<16xi32>
          %add3A_505 = arith.addi %add3A_312, %add3A_504 : vector<16xi32>
          tpu.vector_store_idx %arg9[%add3A_505], %gather3A_494 : memref<16384xf32, #tpu.memory_space<vmem>>[vector<16xi32>], vector<16xf32>,
          %scan3A_506 = arith.constant 9 : i32
          %scan3A_507 = arith.addi %scan3A_346, %scan3A_506 : i32
          %shift_left3A_508 = arith.constant 4 : i32
          %shift_left3A_509 = arith.shli %scan3A_507, %shift_left3A_508 : i32
          %add3A_510 = vector.broadcast %shift_left3A_509 : i32 to vector<16xi32>
          %add3A_511 = arith.addi %iota3A, %add3A_510 : vector<16xi32>
          %gather3A_512 = tpu.vector_load_idx %arg7[%add3A_511, %and3A_299] : memref<512x32xf32, #tpu.memory_space<vmem>>[vector<16xi32>, vector<16xi32>], vector<16xf32>,
          %shift_right_arithmetic3A_513 = arith.constant 3 : i32
          %shift_right_arithmetic3A_514 = arith.shrsi %scan3A_507, %shift_right_arithmetic3A_513 : i32
          %shift_left3A_515 = arith.constant 10 : i32
          %shift_left3A_516 = arith.shli %shift_right_arithmetic3A_514, %shift_left3A_515 : i32
          %and3A_517 = arith.constant 7 : i32
          %and3A_518 = arith.andi %scan3A_507, %and3A_517 : i32
          %shift_left3A_519 = arith.constant 4 : i32
          %shift_left3A_520 = arith.shli %and3A_518, %shift_left3A_519 : i32
          %add3A_521 = arith.addi %shift_left3A_516, %shift_left3A_520 : i32
          %add3A_522 = vector.broadcast %add3A_521 : i32 to vector<16xi32>
          %add3A_523 = arith.addi %add3A_312, %add3A_522 : vector<16xi32>
          tpu.vector_store_idx %arg9[%add3A_523], %gather3A_512 : memref<16384xf32, #tpu.memory_space<vmem>>[vector<16xi32>], vector<16xf32>,
          %scan3A_524 = arith.constant 10 : i32
          %scan3A_525 = arith.addi %scan3A_346, %scan3A_524 : i32
          %shift_left3A_526 = arith.constant 4 : i32
          %shift_left3A_527 = arith.shli %scan3A_525, %shift_left3A_526 : i32
          %add3A_528 = vector.broadcast %shift_left3A_527 : i32 to vector<16xi32>
          %add3A_529 = arith.addi %iota3A, %add3A_528 : vector<16xi32>
          %gather3A_530 = tpu.vector_load_idx %arg7[%add3A_529, %and3A_299] : memref<512x32xf32, #tpu.memory_space<vmem>>[vector<16xi32>, vector<16xi32>], vector<16xf32>,
          %shift_right_arithmetic3A_531 = arith.constant 3 : i32
          %shift_right_arithmetic3A_532 = arith.shrsi %scan3A_525, %shift_right_arithmetic3A_531 : i32
          %shift_left3A_533 = arith.constant 10 : i32
          %shift_left3A_534 = arith.shli %shift_right_arithmetic3A_532, %shift_left3A_533 : i32
          %and3A_535 = arith.constant 7 : i32
          %and3A_536 = arith.andi %scan3A_525, %and3A_535 : i32
          %shift_left3A_537 = arith.constant 4 : i32
          %shift_left3A_538 = arith.shli %and3A_536, %shift_left3A_537 : i32
          %add3A_539 = arith.addi %shift_left3A_534, %shift_left3A_538 : i32
          %add3A_540 = vector.broadcast %add3A_539 : i32 to vector<16xi32>
          %add3A_541 = arith.addi %add3A_312, %add3A_540 : vector<16xi32>
          tpu.vector_store_idx %arg9[%add3A_541], %gather3A_530 : memref<16384xf32, #tpu.memory_space<vmem>>[vector<16xi32>], vector<16xf32>,
          %scan3A_542 = arith.constant 11 : i32
          %scan3A_543 = arith.addi %scan3A_346, %scan3A_542 : i32
          %shift_left3A_544 = arith.constant 4 : i32
          %shift_left3A_545 = arith.shli %scan3A_543, %shift_left3A_544 : i32
          %add3A_546 = vector.broadcast %shift_left3A_545 : i32 to vector<16xi32>
          %add3A_547 = arith.addi %iota3A, %add3A_546 : vector<16xi32>
          %gather3A_548 = tpu.vector_load_idx %arg7[%add3A_547, %and3A_299] : memref<512x32xf32, #tpu.memory_space<vmem>>[vector<16xi32>, vector<16xi32>], vector<16xf32>,
          %shift_right_arithmetic3A_549 = arith.constant 3 : i32
          %shift_right_arithmetic3A_550 = arith.shrsi %scan3A_543, %shift_right_arithmetic3A_549 : i32
          %shift_left3A_551 = arith.constant 10 : i32
          %shift_left3A_552 = arith.shli %shift_right_arithmetic3A_550, %shift_left3A_551 : i32
          %and3A_553 = arith.constant 7 : i32
          %and3A_554 = arith.andi %scan3A_543, %and3A_553 : i32
          %shift_left3A_555 = arith.constant 4 : i32
          %shift_left3A_556 = arith.shli %and3A_554, %shift_left3A_555 : i32
          %add3A_557 = arith.addi %shift_left3A_552, %shift_left3A_556 : i32
          %add3A_558 = vector.broadcast %add3A_557 : i32 to vector<16xi32>
          %add3A_559 = arith.addi %add3A_312, %add3A_558 : vector<16xi32>
          tpu.vector_store_idx %arg9[%add3A_559], %gather3A_548 : memref<16384xf32, #tpu.memory_space<vmem>>[vector<16xi32>], vector<16xf32>,
          %scan3A_560 = arith.constant 12 : i32
          %scan3A_561 = arith.addi %scan3A_346, %scan3A_560 : i32
          %shift_left3A_562 = arith.constant 4 : i32
          %shift_left3A_563 = arith.shli %scan3A_561, %shift_left3A_562 : i32
          %add3A_564 = vector.broadcast %shift_left3A_563 : i32 to vector<16xi32>
          %add3A_565 = arith.addi %iota3A, %add3A_564 : vector<16xi32>
          %gather3A_566 = tpu.vector_load_idx %arg7[%add3A_565, %and3A_299] : memref<512x32xf32, #tpu.memory_space<vmem>>[vector<16xi32>, vector<16xi32>], vector<16xf32>,
          %shift_right_arithmetic3A_567 = arith.constant 3 : i32
          %shift_right_arithmetic3A_568 = arith.shrsi %scan3A_561, %shift_right_arithmetic3A_567 : i32
          %shift_left3A_569 = arith.constant 10 : i32
          %shift_left3A_570 = arith.shli %shift_right_arithmetic3A_568, %shift_left3A_569 : i32
          %and3A_571 = arith.constant 7 : i32
          %and3A_572 = arith.andi %scan3A_561, %and3A_571 : i32
          %shift_left3A_573 = arith.constant 4 : i32
          %shift_left3A_574 = arith.shli %and3A_572, %shift_left3A_573 : i32
          %add3A_575 = arith.addi %shift_left3A_570, %shift_left3A_574 : i32
          %add3A_576 = vector.broadcast %add3A_575 : i32 to vector<16xi32>
          %add3A_577 = arith.addi %add3A_312, %add3A_576 : vector<16xi32>
          tpu.vector_store_idx %arg9[%add3A_577], %gather3A_566 : memref<16384xf32, #tpu.memory_space<vmem>>[vector<16xi32>], vector<16xf32>,
          %scan3A_578 = arith.constant 13 : i32
          %scan3A_579 = arith.addi %scan3A_346, %scan3A_578 : i32
          %shift_left3A_580 = arith.constant 4 : i32
          %shift_left3A_581 = arith.shli %scan3A_579, %shift_left3A_580 : i32
          %add3A_582 = vector.broadcast %shift_left3A_581 : i32 to vector<16xi32>
          %add3A_583 = arith.addi %iota3A, %add3A_582 : vector<16xi32>
          %gather3A_584 = tpu.vector_load_idx %arg7[%add3A_583, %and3A_299] : memref<512x32xf32, #tpu.memory_space<vmem>>[vector<16xi32>, vector<16xi32>], vector<16xf32>,
          %shift_right_arithmetic3A_585 = arith.constant 3 : i32
          %shift_right_arithmetic3A_586 = arith.shrsi %scan3A_579, %shift_right_arithmetic3A_585 : i32
          %shift_left3A_587 = arith.constant 10 : i32
          %shift_left3A_588 = arith.shli %shift_right_arithmetic3A_586, %shift_left3A_587 : i32
          %and3A_589 = arith.constant 7 : i32
          %and3A_590 = arith.andi %scan3A_579, %and3A_589 : i32
          %shift_left3A_591 = arith.constant 4 : i32
          %shift_left3A_592 = arith.shli %and3A_590, %shift_left3A_591 : i32
          %add3A_593 = arith.addi %shift_left3A_588, %shift_left3A_592 : i32
          %add3A_594 = vector.broadcast %add3A_593 : i32 to vector<16xi32>
          %add3A_595 = arith.addi %add3A_312, %add3A_594 : vector<16xi32>
          tpu.vector_store_idx %arg9[%add3A_595], %gather3A_584 : memref<16384xf32, #tpu.memory_space<vmem>>[vector<16xi32>], vector<16xf32>,
          %scan3A_596 = arith.constant 14 : i32
          %scan3A_597 = arith.addi %scan3A_346, %scan3A_596 : i32
          %shift_left3A_598 = arith.constant 4 : i32
          %shift_left3A_599 = arith.shli %scan3A_597, %shift_left3A_598 : i32
          %add3A_600 = vector.broadcast %shift_left3A_599 : i32 to vector<16xi32>
          %add3A_601 = arith.addi %iota3A, %add3A_600 : vector<16xi32>
          %gather3A_602 = tpu.vector_load_idx %arg7[%add3A_601, %and3A_299] : memref<512x32xf32, #tpu.memory_space<vmem>>[vector<16xi32>, vector<16xi32>], vector<16xf32>,
          %shift_right_arithmetic3A_603 = arith.constant 3 : i32
          %shift_right_arithmetic3A_604 = arith.shrsi %scan3A_597, %shift_right_arithmetic3A_603 : i32
          %shift_left3A_605 = arith.constant 10 : i32
          %shift_left3A_606 = arith.shli %shift_right_arithmetic3A_604, %shift_left3A_605 : i32
          %and3A_607 = arith.constant 7 : i32
          %and3A_608 = arith.andi %scan3A_597, %and3A_607 : i32
          %shift_left3A_609 = arith.constant 4 : i32
          %shift_left3A_610 = arith.shli %and3A_608, %shift_left3A_609 : i32
          %add3A_611 = arith.addi %shift_left3A_606, %shift_left3A_610 : i32
          %add3A_612 = vector.broadcast %add3A_611 : i32 to vector<16xi32>
          %add3A_613 = arith.addi %add3A_312, %add3A_612 : vector<16xi32>
          tpu.vector_store_idx %arg9[%add3A_613], %gather3A_602 : memref<16384xf32, #tpu.memory_space<vmem>>[vector<16xi32>], vector<16xf32>,
          %scan3A_614 = arith.constant 15 : i32
          %scan3A_615 = arith.addi %scan3A_346, %scan3A_614 : i32
          %shift_left3A_616 = arith.constant 4 : i32
          %shift_left3A_617 = arith.shli %scan3A_615, %shift_left3A_616 : i32
          %add3A_618 = vector.broadcast %shift_left3A_617 : i32 to vector<16xi32>
          %add3A_619 = arith.addi %iota3A, %add3A_618 : vector<16xi32>
          %gather3A_620 = tpu.vector_load_idx %arg7[%add3A_619, %and3A_299] : memref<512x32xf32, #tpu.memory_space<vmem>>[vector<16xi32>, vector<16xi32>], vector<16xf32>,
          %shift_right_arithmetic3A_621 = arith.constant 3 : i32
          %shift_right_arithmetic3A_622 = arith.shrsi %scan3A_615, %shift_right_arithmetic3A_621 : i32
          %shift_left3A_623 = arith.constant 10 : i32
          %shift_left3A_624 = arith.shli %shift_right_arithmetic3A_622, %shift_left3A_623 : i32
          %and3A_625 = arith.constant 7 : i32
          %and3A_626 = arith.andi %scan3A_615, %and3A_625 : i32
          %shift_left3A_627 = arith.constant 4 : i32
          %shift_left3A_628 = arith.shli %and3A_626, %shift_left3A_627 : i32
          %add3A_629 = arith.addi %shift_left3A_624, %shift_left3A_628 : i32
          %add3A_630 = vector.broadcast %add3A_629 : i32 to vector<16xi32>
          %add3A_631 = arith.addi %add3A_312, %add3A_630 : vector<16xi32>
          tpu.vector_store_idx %arg9[%add3A_631], %gather3A_620 : memref<16384xf32, #tpu.memory_space<vmem>>[vector<16xi32>], vector<16xf32>,
        }
        %scan3A_318 = arith.constant 32 : i32
        %scan3A_319 = arith.constant 1 : i32
        %scan3A_320 = arith.addi %scan3A_294, %scan3A_319 : i32
        %add3A_321 = vector.broadcast %scan3A_320 : i32 to vector<16xi32>
        %add3A_322 = arith.addi %iota3A, %add3A_321 : vector<16xi32>
        %and3A_323 = arith.constant 31 : i32
        %and3A_324 = vector.broadcast %and3A_323 : i32 to vector<16xi32>
        %and3A_325 = arith.andi %add3A_322, %and3A_324 : vector<16xi32>
        %shift_right_arithmetic3A_326 = arith.constant 3 : i32
        %shift_right_arithmetic3A_327 = vector.broadcast %shift_right_arithmetic3A_326 : i32 to vector<16xi32>
        %shift_right_arithmetic3A_328 = arith.shrsi %and3A_325, %shift_right_arithmetic3A_327 : vector<16xi32>
        %shift_left3A_329 = arith.constant 12 : i32
        %shift_left3A_330 = vector.broadcast %shift_left3A_329 : i32 to vector<16xi32>
        %shift_left3A_331 = arith.shli %shift_right_arithmetic3A_328, %shift_left3A_330 : vector<16xi32>
        %and3A_332 = arith.constant 7 : i32
        %and3A_333 = vector.broadcast %and3A_332 : i32 to vector<16xi32>
        %and3A_334 = arith.andi %and3A_325, %and3A_333 : vector<16xi32>
        %shift_left3A_335 = arith.constant 7 : i32
        %shift_left3A_336 = vector.broadcast %shift_left3A_335 : i32 to vector<16xi32>
        %shift_left3A_337 = arith.shli %and3A_334, %shift_left3A_336 : vector<16xi32>
        %add3A_338 = arith.addi %shift_left3A_331, %shift_left3A_337 : vector<16xi32>
        %add3A_339 = arith.addi %add3A_338, %iota3A : vector<16xi32>
        %scan3A_340 = arith.constant 0 : i32
        %scan3A_341 = arith.constant 0 : i32
        %scan3A_342 = arith.constant 32 : i32
        %scan3A_343 = arith.addi %scan3A_341, %scan3A_342 : i32
        %scan3A_344 = arith.constant 16 : i32
        scf.for %scan3A_346 = %scan3A_341 to %scan3A_343 step %scan3A_344  : i32 {
          %shift_left3A_347 = arith.constant 4 : i32
          %shift_left3A_348 = arith.shli %scan3A_346, %shift_left3A_347 : i32
          %add3A_349 = vector.broadcast %shift_left3A_348 : i32 to vector<16xi32>
          %add3A_350 = arith.addi %iota3A, %add3A_349 : vector<16xi32>
          %gather3A = tpu.vector_load_idx %arg7[%add3A_350, %and3A_325] : memref<512x32xf32, #tpu.memory_space<vmem>>[vector<16xi32>, vector<16xi32>], vector<16xf32>,
          %shift_right_arithmetic3A_351 = arith.constant 3 : i32
          %shift_right_arithmetic3A_352 = arith.shrsi %scan3A_346, %shift_right_arithmetic3A_351 : i32
          %shift_left3A_353 = arith.constant 10 : i32
          %shift_left3A_354 = arith.shli %shift_right_arithmetic3A_352, %shift_left3A_353 : i32
          %and3A_355 = arith.constant 7 : i32
          %and3A_356 = arith.andi %scan3A_346, %and3A_355 : i32
          %shift_left3A_357 = arith.constant 4 : i32
          %shift_left3A_358 = arith.shli %and3A_356, %shift_left3A_357 : i32
          %add3A_359 = arith.addi %shift_left3A_354, %shift_left3A_358 : i32
          %add3A_360 = vector.broadcast %add3A_359 : i32 to vector<16xi32>
          %add3A_361 = arith.addi %add3A_339, %add3A_360 : vector<16xi32>
          tpu.vector_store_idx %arg9[%add3A_361], %gather3A : memref<16384xf32, #tpu.memory_space<vmem>>[vector<16xi32>], vector<16xf32>,
          %scan3A_362 = arith.constant 1 : i32
          %scan3A_363 = arith.addi %scan3A_346, %scan3A_362 : i32
          %shift_left3A_364 = arith.constant 4 : i32
          %shift_left3A_365 = arith.shli %scan3A_363, %shift_left3A_364 : i32
          %add3A_366 = vector.broadcast %shift_left3A_365 : i32 to vector<16xi32>
          %add3A_367 = arith.addi %iota3A, %add3A_366 : vector<16xi32>
          %gather3A_368 = tpu.vector_load_idx %arg7[%add3A_367, %and3A_325] : memref<512x32xf32, #tpu.memory_space<vmem>>[vector<16xi32>, vector<16xi32>], vector<16xf32>,
          %shift_right_arithmetic3A_369 = arith.constant 3 : i32
          %shift_right_arithmetic3A_370 = arith.shrsi %scan3A_363, %shift_right_arithmetic3A_369 : i32
          %shift_left3A_371 = arith.constant 10 : i32
          %shift_left3A_372 = arith.shli %shift_right_arithmetic3A_370, %shift_left3A_371 : i32
          %and3A_373 = arith.constant 7 : i32
          %and3A_374 = arith.andi %scan3A_363, %and3A_373 : i32
          %shift_left3A_375 = arith.constant 4 : i32
          %shift_left3A_376 = arith.shli %and3A_374, %shift_left3A_375 : i32
          %add3A_377 = arith.addi %shift_left3A_372, %shift_left3A_376 : i32
          %add3A_378 = vector.broadcast %add3A_377 : i32 to vector<16xi32>
          %add3A_379 = arith.addi %add3A_339, %add3A_378 : vector<16xi32>
          tpu.vector_store_idx %arg9[%add3A_379], %gather3A_368 : memref<16384xf32, #tpu.memory_space<vmem>>[vector<16xi32>], vector<16xf32>,
          %scan3A_380 = arith.constant 2 : i32
          %scan3A_381 = arith.addi %scan3A_346, %scan3A_380 : i32
          %shift_left3A_382 = arith.constant 4 : i32
          %shift_left3A_383 = arith.shli %scan3A_381, %shift_left3A_382 : i32
          %add3A_384 = vector.broadcast %shift_left3A_383 : i32 to vector<16xi32>
          %add3A_385 = arith.addi %iota3A, %add3A_384 : vector<16xi32>
          %gather3A_386 = tpu.vector_load_idx %arg7[%add3A_385, %and3A_325] : memref<512x32xf32, #tpu.memory_space<vmem>>[vector<16xi32>, vector<16xi32>], vector<16xf32>,
          %shift_right_arithmetic3A_387 = arith.constant 3 : i32
          %shift_right_arithmetic3A_388 = arith.shrsi %scan3A_381, %shift_right_arithmetic3A_387 : i32
          %shift_left3A_389 = arith.constant 10 : i32
          %shift_left3A_390 = arith.shli %shift_right_arithmetic3A_388, %shift_left3A_389 : i32
          %and3A_391 = arith.constant 7 : i32
          %and3A_392 = arith.andi %scan3A_381, %and3A_391 : i32
          %shift_left3A_393 = arith.constant 4 : i32
          %shift_left3A_394 = arith.shli %and3A_392, %shift_left3A_393 : i32
          %add3A_395 = arith.addi %shift_left3A_390, %shift_left3A_394 : i32
          %add3A_396 = vector.broadcast %add3A_395 : i32 to vector<16xi32>
          %add3A_397 = arith.addi %add3A_339, %add3A_396 : vector<16xi32>
          tpu.vector_store_idx %arg9[%add3A_397], %gather3A_386 : memref<16384xf32, #tpu.memory_space<vmem>>[vector<16xi32>], vector<16xf32>,
          %scan3A_398 = arith.constant 3 : i32
          %scan3A_399 = arith.addi %scan3A_346, %scan3A_398 : i32
          %shift_left3A_400 = arith.constant 4 : i32
          %shift_left3A_401 = arith.shli %scan3A_399, %shift_left3A_400 : i32
          %add3A_402 = vector.broadcast %shift_left3A_401 : i32 to vector<16xi32>
          %add3A_403 = arith.addi %iota3A, %add3A_402 : vector<16xi32>
          %gather3A_404 = tpu.vector_load_idx %arg7[%add3A_403, %and3A_325] : memref<512x32xf32, #tpu.memory_space<vmem>>[vector<16xi32>, vector<16xi32>], vector<16xf32>,
          %shift_right_arithmetic3A_405 = arith.constant 3 : i32
          %shift_right_arithmetic3A_406 = arith.shrsi %scan3A_399, %shift_right_arithmetic3A_405 : i32
          %shift_left3A_407 = arith.constant 10 : i32
          %shift_left3A_408 = arith.shli %shift_right_arithmetic3A_406, %shift_left3A_407 : i32
          %and3A_409 = arith.constant 7 : i32
          %and3A_410 = arith.andi %scan3A_399, %and3A_409 : i32
          %shift_left3A_411 = arith.constant 4 : i32
          %shift_left3A_412 = arith.shli %and3A_410, %shift_left3A_411 : i32
          %add3A_413 = arith.addi %shift_left3A_408, %shift_left3A_412 : i32
          %add3A_414 = vector.broadcast %add3A_413 : i32 to vector<16xi32>
          %add3A_415 = arith.addi %add3A_339, %add3A_414 : vector<16xi32>
          tpu.vector_store_idx %arg9[%add3A_415], %gather3A_404 : memref<16384xf32, #tpu.memory_space<vmem>>[vector<16xi32>], vector<16xf32>,
          %scan3A_416 = arith.constant 4 : i32
          %scan3A_417 = arith.addi %scan3A_346, %scan3A_416 : i32
          %shift_left3A_418 = arith.constant 4 : i32
          %shift_left3A_419 = arith.shli %scan3A_417, %shift_left3A_418 : i32
          %add3A_420 = vector.broadcast %shift_left3A_419 : i32 to vector<16xi32>
          %add3A_421 = arith.addi %iota3A, %add3A_420 : vector<16xi32>
          %gather3A_422 = tpu.vector_load_idx %arg7[%add3A_421, %and3A_325] : memref<512x32xf32, #tpu.memory_space<vmem>>[vector<16xi32>, vector<16xi32>], vector<16xf32>,
          %shift_right_arithmetic3A_423 = arith.constant 3 : i32
          %shift_right_arithmetic3A_424 = arith.shrsi %scan3A_417, %shift_right_arithmetic3A_423 : i32
          %shift_left3A_425 = arith.constant 10 : i32
          %shift_left3A_426 = arith.shli %shift_right_arithmetic3A_424, %shift_left3A_425 : i32
          %and3A_427 = arith.constant 7 : i32
          %and3A_428 = arith.andi %scan3A_417, %and3A_427 : i32
          %shift_left3A_429 = arith.constant 4 : i32
          %shift_left3A_430 = arith.shli %and3A_428, %shift_left3A_429 : i32
          %add3A_431 = arith.addi %shift_left3A_426, %shift_left3A_430 : i32
          %add3A_432 = vector.broadcast %add3A_431 : i32 to vector<16xi32>
          %add3A_433 = arith.addi %add3A_339, %add3A_432 : vector<16xi32>
          tpu.vector_store_idx %arg9[%add3A_433], %gather3A_422 : memref<16384xf32, #tpu.memory_space<vmem>>[vector<16xi32>], vector<16xf32>,
          %scan3A_434 = arith.constant 5 : i32
          %scan3A_435 = arith.addi %scan3A_346, %scan3A_434 : i32
          %shift_left3A_436 = arith.constant 4 : i32
          %shift_left3A_437 = arith.shli %scan3A_435, %shift_left3A_436 : i32
          %add3A_438 = vector.broadcast %shift_left3A_437 : i32 to vector<16xi32>
          %add3A_439 = arith.addi %iota3A, %add3A_438 : vector<16xi32>
          %gather3A_440 = tpu.vector_load_idx %arg7[%add3A_439, %and3A_325] : memref<512x32xf32, #tpu.memory_space<vmem>>[vector<16xi32>, vector<16xi32>], vector<16xf32>,
          %shift_right_arithmetic3A_441 = arith.constant 3 : i32
          %shift_right_arithmetic3A_442 = arith.shrsi %scan3A_435, %shift_right_arithmetic3A_441 : i32
          %shift_left3A_443 = arith.constant 10 : i32
          %shift_left3A_444 = arith.shli %shift_right_arithmetic3A_442, %shift_left3A_443 : i32
          %and3A_445 = arith.constant 7 : i32
          %and3A_446 = arith.andi %scan3A_435, %and3A_445 : i32
          %shift_left3A_447 = arith.constant 4 : i32
          %shift_left3A_448 = arith.shli %and3A_446, %shift_left3A_447 : i32
          %add3A_449 = arith.addi %shift_left3A_444, %shift_left3A_448 : i32
          %add3A_450 = vector.broadcast %add3A_449 : i32 to vector<16xi32>
          %add3A_451 = arith.addi %add3A_339, %add3A_450 : vector<16xi32>
          tpu.vector_store_idx %arg9[%add3A_451], %gather3A_440 : memref<16384xf32, #tpu.memory_space<vmem>>[vector<16xi32>], vector<16xf32>,
          %scan3A_452 = arith.constant 6 : i32
          %scan3A_453 = arith.addi %scan3A_346, %scan3A_452 : i32
          %shift_left3A_454 = arith.constant 4 : i32
          %shift_left3A_455 = arith.shli %scan3A_453, %shift_left3A_454 : i32
          %add3A_456 = vector.broadcast %shift_left3A_455 : i32 to vector<16xi32>
          %add3A_457 = arith.addi %iota3A, %add3A_456 : vector<16xi32>
          %gather3A_458 = tpu.vector_load_idx %arg7[%add3A_457, %and3A_325] : memref<512x32xf32, #tpu.memory_space<vmem>>[vector<16xi32>, vector<16xi32>], vector<16xf32>,
          %shift_right_arithmetic3A_459 = arith.constant 3 : i32
          %shift_right_arithmetic3A_460 = arith.shrsi %scan3A_453, %shift_right_arithmetic3A_459 : i32
          %shift_left3A_461 = arith.constant 10 : i32
          %shift_left3A_462 = arith.shli %shift_right_arithmetic3A_460, %shift_left3A_461 : i32
          %and3A_463 = arith.constant 7 : i32
          %and3A_464 = arith.andi %scan3A_453, %and3A_463 : i32
          %shift_left3A_465 = arith.constant 4 : i32
          %shift_left3A_466 = arith.shli %and3A_464, %shift_left3A_465 : i32
          %add3A_467 = arith.addi %shift_left3A_462, %shift_left3A_466 : i32
          %add3A_468 = vector.broadcast %add3A_467 : i32 to vector<16xi32>
          %add3A_469 = arith.addi %add3A_339, %add3A_468 : vector<16xi32>
          tpu.vector_store_idx %arg9[%add3A_469], %gather3A_458 : memref<16384xf32, #tpu.memory_space<vmem>>[vector<16xi32>], vector<16xf32>,
          %scan3A_470 = arith.constant 7 : i32
          %scan3A_471 = arith.addi %scan3A_346, %scan3A_470 : i32
          %shift_left3A_472 = arith.constant 4 : i32
          %shift_left3A_473 = arith.shli %scan3A_471, %shift_left3A_472 : i32
          %add3A_474 = vector.broadcast %shift_left3A_473 : i32 to vector<16xi32>
          %add3A_475 = arith.addi %iota3A, %add3A_474 : vector<16xi32>
          %gather3A_476 = tpu.vector_load_idx %arg7[%add3A_475, %and3A_325] : memref<512x32xf32, #tpu.memory_space<vmem>>[vector<16xi32>, vector<16xi32>], vector<16xf32>,
          %shift_right_arithmetic3A_477 = arith.constant 3 : i32
          %shift_right_arithmetic3A_478 = arith.shrsi %scan3A_471, %shift_right_arithmetic3A_477 : i32
          %shift_left3A_479 = arith.constant 10 : i32
          %shift_left3A_480 = arith.shli %shift_right_arithmetic3A_478, %shift_left3A_479 : i32
          %and3A_481 = arith.constant 7 : i32
          %and3A_482 = arith.andi %scan3A_471, %and3A_481 : i32
          %shift_left3A_483 = arith.constant 4 : i32
          %shift_left3A_484 = arith.shli %and3A_482, %shift_left3A_483 : i32
          %add3A_485 = arith.addi %shift_left3A_480, %shift_left3A_484 : i32
          %add3A_486 = vector.broadcast %add3A_485 : i32 to vector<16xi32>
          %add3A_487 = arith.addi %add3A_339, %add3A_486 : vector<16xi32>
          tpu.vector_store_idx %arg9[%add3A_487], %gather3A_476 : memref<16384xf32, #tpu.memory_space<vmem>>[vector<16xi32>], vector<16xf32>,
          %scan3A_488 = arith.constant 8 : i32
          %scan3A_489 = arith.addi %scan3A_346, %scan3A_488 : i32
          %shift_left3A_490 = arith.constant 4 : i32
          %shift_left3A_491 = arith.shli %scan3A_489, %shift_left3A_490 : i32
          %add3A_492 = vector.broadcast %shift_left3A_491 : i32 to vector<16xi32>
          %add3A_493 = arith.addi %iota3A, %add3A_492 : vector<16xi32>
          %gather3A_494 = tpu.vector_load_idx %arg7[%add3A_493, %and3A_325] : memref<512x32xf32, #tpu.memory_space<vmem>>[vector<16xi32>, vector<16xi32>], vector<16xf32>,
          %shift_right_arithmetic3A_495 = arith.constant 3 : i32
          %shift_right_arithmetic3A_496 = arith.shrsi %scan3A_489, %shift_right_arithmetic3A_495 : i32
          %shift_left3A_497 = arith.constant 10 : i32
          %shift_left3A_498 = arith.shli %shift_right_arithmetic3A_496, %shift_left3A_497 : i32
          %and3A_499 = arith.constant 7 : i32
          %and3A_500 = arith.andi %scan3A_489, %and3A_499 : i32
          %shift_left3A_501 = arith.constant 4 : i32
          %shift_left3A_502 = arith.shli %and3A_500, %shift_left3A_501 : i32
          %add3A_503 = arith.addi %shift_left3A_498, %shift_left3A_502 : i32
          %add3A_504 = vector.broadcast %add3A_503 : i32 to vector<16xi32>
          %add3A_505 = arith.addi %add3A_339, %add3A_504 : vector<16xi32>
          tpu.vector_store_idx %arg9[%add3A_505], %gather3A_494 : memref<16384xf32, #tpu.memory_space<vmem>>[vector<16xi32>], vector<16xf32>,
          %scan3A_506 = arith.constant 9 : i32
          %scan3A_507 = arith.addi %scan3A_346, %scan3A_506 : i32
          %shift_left3A_508 = arith.constant 4 : i32
          %shift_left3A_509 = arith.shli %scan3A_507, %shift_left3A_508 : i32
          %add3A_510 = vector.broadcast %shift_left3A_509 : i32 to vector<16xi32>
          %add3A_511 = arith.addi %iota3A, %add3A_510 : vector<16xi32>
          %gather3A_512 = tpu.vector_load_idx %arg7[%add3A_511, %and3A_325] : memref<512x32xf32, #tpu.memory_space<vmem>>[vector<16xi32>, vector<16xi32>], vector<16xf32>,
          %shift_right_arithmetic3A_513 = arith.constant 3 : i32
          %shift_right_arithmetic3A_514 = arith.shrsi %scan3A_507, %shift_right_arithmetic3A_513 : i32
          %shift_left3A_515 = arith.constant 10 : i32
          %shift_left3A_516 = arith.shli %shift_right_arithmetic3A_514, %shift_left3A_515 : i32
          %and3A_517 = arith.constant 7 : i32
          %and3A_518 = arith.andi %scan3A_507, %and3A_517 : i32
          %shift_left3A_519 = arith.constant 4 : i32
          %shift_left3A_520 = arith.shli %and3A_518, %shift_left3A_519 : i32
          %add3A_521 = arith.addi %shift_left3A_516, %shift_left3A_520 : i32
          %add3A_522 = vector.broadcast %add3A_521 : i32 to vector<16xi32>
          %add3A_523 = arith.addi %add3A_339, %add3A_522 : vector<16xi32>
          tpu.vector_store_idx %arg9[%add3A_523], %gather3A_512 : memref<16384xf32, #tpu.memory_space<vmem>>[vector<16xi32>], vector<16xf32>,
          %scan3A_524 = arith.constant 10 : i32
          %scan3A_525 = arith.addi %scan3A_346, %scan3A_524 : i32
          %shift_left3A_526 = arith.constant 4 : i32
          %shift_left3A_527 = arith.shli %scan3A_525, %shift_left3A_526 : i32
          %add3A_528 = vector.broadcast %shift_left3A_527 : i32 to vector<16xi32>
          %add3A_529 = arith.addi %iota3A, %add3A_528 : vector<16xi32>
          %gather3A_530 = tpu.vector_load_idx %arg7[%add3A_529, %and3A_325] : memref<512x32xf32, #tpu.memory_space<vmem>>[vector<16xi32>, vector<16xi32>], vector<16xf32>,
          %shift_right_arithmetic3A_531 = arith.constant 3 : i32
          %shift_right_arithmetic3A_532 = arith.shrsi %scan3A_525, %shift_right_arithmetic3A_531 : i32
          %shift_left3A_533 = arith.constant 10 : i32
          %shift_left3A_534 = arith.shli %shift_right_arithmetic3A_532, %shift_left3A_533 : i32
          %and3A_535 = arith.constant 7 : i32
          %and3A_536 = arith.andi %scan3A_525, %and3A_535 : i32
          %shift_left3A_537 = arith.constant 4 : i32
          %shift_left3A_538 = arith.shli %and3A_536, %shift_left3A_537 : i32
          %add3A_539 = arith.addi %shift_left3A_534, %shift_left3A_538 : i32
          %add3A_540 = vector.broadcast %add3A_539 : i32 to vector<16xi32>
          %add3A_541 = arith.addi %add3A_339, %add3A_540 : vector<16xi32>
          tpu.vector_store_idx %arg9[%add3A_541], %gather3A_530 : memref<16384xf32, #tpu.memory_space<vmem>>[vector<16xi32>], vector<16xf32>,
          %scan3A_542 = arith.constant 11 : i32
          %scan3A_543 = arith.addi %scan3A_346, %scan3A_542 : i32
          %shift_left3A_544 = arith.constant 4 : i32
          %shift_left3A_545 = arith.shli %scan3A_543, %shift_left3A_544 : i32
          %add3A_546 = vector.broadcast %shift_left3A_545 : i32 to vector<16xi32>
          %add3A_547 = arith.addi %iota3A, %add3A_546 : vector<16xi32>
          %gather3A_548 = tpu.vector_load_idx %arg7[%add3A_547, %and3A_325] : memref<512x32xf32, #tpu.memory_space<vmem>>[vector<16xi32>, vector<16xi32>], vector<16xf32>,
          %shift_right_arithmetic3A_549 = arith.constant 3 : i32
          %shift_right_arithmetic3A_550 = arith.shrsi %scan3A_543, %shift_right_arithmetic3A_549 : i32
          %shift_left3A_551 = arith.constant 10 : i32
          %shift_left3A_552 = arith.shli %shift_right_arithmetic3A_550, %shift_left3A_551 : i32
          %and3A_553 = arith.constant 7 : i32
          %and3A_554 = arith.andi %scan3A_543, %and3A_553 : i32
          %shift_left3A_555 = arith.constant 4 : i32
          %shift_left3A_556 = arith.shli %and3A_554, %shift_left3A_555 : i32
          %add3A_557 = arith.addi %shift_left3A_552, %shift_left3A_556 : i32
          %add3A_558 = vector.broadcast %add3A_557 : i32 to vector<16xi32>
          %add3A_559 = arith.addi %add3A_339, %add3A_558 : vector<16xi32>
          tpu.vector_store_idx %arg9[%add3A_559], %gather3A_548 : memref<16384xf32, #tpu.memory_space<vmem>>[vector<16xi32>], vector<16xf32>,
          %scan3A_560 = arith.constant 12 : i32
          %scan3A_561 = arith.addi %scan3A_346, %scan3A_560 : i32
          %shift_left3A_562 = arith.constant 4 : i32
          %shift_left3A_563 = arith.shli %scan3A_561, %shift_left3A_562 : i32
          %add3A_564 = vector.broadcast %shift_left3A_563 : i32 to vector<16xi32>
          %add3A_565 = arith.addi %iota3A, %add3A_564 : vector<16xi32>
          %gather3A_566 = tpu.vector_load_idx %arg7[%add3A_565, %and3A_325] : memref<512x32xf32, #tpu.memory_space<vmem>>[vector<16xi32>, vector<16xi32>], vector<16xf32>,
          %shift_right_arithmetic3A_567 = arith.constant 3 : i32
          %shift_right_arithmetic3A_568 = arith.shrsi %scan3A_561, %shift_right_arithmetic3A_567 : i32
          %shift_left3A_569 = arith.constant 10 : i32
          %shift_left3A_570 = arith.shli %shift_right_arithmetic3A_568, %shift_left3A_569 : i32
          %and3A_571 = arith.constant 7 : i32
          %and3A_572 = arith.andi %scan3A_561, %and3A_571 : i32
          %shift_left3A_573 = arith.constant 4 : i32
          %shift_left3A_574 = arith.shli %and3A_572, %shift_left3A_573 : i32
          %add3A_575 = arith.addi %shift_left3A_570, %shift_left3A_574 : i32
          %add3A_576 = vector.broadcast %add3A_575 : i32 to vector<16xi32>
          %add3A_577 = arith.addi %add3A_339, %add3A_576 : vector<16xi32>
          tpu.vector_store_idx %arg9[%add3A_577], %gather3A_566 : memref<16384xf32, #tpu.memory_space<vmem>>[vector<16xi32>], vector<16xf32>,
          %scan3A_578 = arith.constant 13 : i32
          %scan3A_579 = arith.addi %scan3A_346, %scan3A_578 : i32
          %shift_left3A_580 = arith.constant 4 : i32
          %shift_left3A_581 = arith.shli %scan3A_579, %shift_left3A_580 : i32
          %add3A_582 = vector.broadcast %shift_left3A_581 : i32 to vector<16xi32>
          %add3A_583 = arith.addi %iota3A, %add3A_582 : vector<16xi32>
          %gather3A_584 = tpu.vector_load_idx %arg7[%add3A_583, %and3A_325] : memref<512x32xf32, #tpu.memory_space<vmem>>[vector<16xi32>, vector<16xi32>], vector<16xf32>,
          %shift_right_arithmetic3A_585 = arith.constant 3 : i32
          %shift_right_arithmetic3A_586 = arith.shrsi %scan3A_579, %shift_right_arithmetic3A_585 : i32
          %shift_left3A_587 = arith.constant 10 : i32
          %shift_left3A_588 = arith.shli %shift_right_arithmetic3A_586, %shift_left3A_587 : i32
          %and3A_589 = arith.constant 7 : i32
          %and3A_590 = arith.andi %scan3A_579, %and3A_589 : i32
          %shift_left3A_591 = arith.constant 4 : i32
          %shift_left3A_592 = arith.shli %and3A_590, %shift_left3A_591 : i32
          %add3A_593 = arith.addi %shift_left3A_588, %shift_left3A_592 : i32
          %add3A_594 = vector.broadcast %add3A_593 : i32 to vector<16xi32>
          %add3A_595 = arith.addi %add3A_339, %add3A_594 : vector<16xi32>
          tpu.vector_store_idx %arg9[%add3A_595], %gather3A_584 : memref<16384xf32, #tpu.memory_space<vmem>>[vector<16xi32>], vector<16xf32>,
          %scan3A_596 = arith.constant 14 : i32
          %scan3A_597 = arith.addi %scan3A_346, %scan3A_596 : i32
          %shift_left3A_598 = arith.constant 4 : i32
          %shift_left3A_599 = arith.shli %scan3A_597, %shift_left3A_598 : i32
          %add3A_600 = vector.broadcast %shift_left3A_599 : i32 to vector<16xi32>
          %add3A_601 = arith.addi %iota3A, %add3A_600 : vector<16xi32>
          %gather3A_602 = tpu.vector_load_idx %arg7[%add3A_601, %and3A_325] : memref<512x32xf32, #tpu.memory_space<vmem>>[vector<16xi32>, vector<16xi32>], vector<16xf32>,
          %shift_right_arithmetic3A_603 = arith.constant 3 : i32
          %shift_right_arithmetic3A_604 = arith.shrsi %scan3A_597, %shift_right_arithmetic3A_603 : i32
          %shift_left3A_605 = arith.constant 10 : i32
          %shift_left3A_606 = arith.shli %shift_right_arithmetic3A_604, %shift_left3A_605 : i32
          %and3A_607 = arith.constant 7 : i32
          %and3A_608 = arith.andi %scan3A_597, %and3A_607 : i32
          %shift_left3A_609 = arith.constant 4 : i32
          %shift_left3A_610 = arith.shli %and3A_608, %shift_left3A_609 : i32
          %add3A_611 = arith.addi %shift_left3A_606, %shift_left3A_610 : i32
          %add3A_612 = vector.broadcast %add3A_611 : i32 to vector<16xi32>
          %add3A_613 = arith.addi %add3A_339, %add3A_612 : vector<16xi32>
          tpu.vector_store_idx %arg9[%add3A_613], %gather3A_602 : memref<16384xf32, #tpu.memory_space<vmem>>[vector<16xi32>], vector<16xf32>,
          %scan3A_614 = arith.constant 15 : i32
          %scan3A_615 = arith.addi %scan3A_346, %scan3A_614 : i32
          %shift_left3A_616 = arith.constant 4 : i32
          %shift_left3A_617 = arith.shli %scan3A_615, %shift_left3A_616 : i32
          %add3A_618 = vector.broadcast %shift_left3A_617 : i32 to vector<16xi32>
          %add3A_619 = arith.addi %iota3A, %add3A_618 : vector<16xi32>
          %gather3A_620 = tpu.vector_load_idx %arg7[%add3A_619, %and3A_325] : memref<512x32xf32, #tpu.memory_space<vmem>>[vector<16xi32>, vector<16xi32>], vector<16xf32>,
          %shift_right_arithmetic3A_621 = arith.constant 3 : i32
          %shift_right_arithmetic3A_622 = arith.shrsi %scan3A_615, %shift_right_arithmetic3A_621 : i32
          %shift_left3A_623 = arith.constant 10 : i32
          %shift_left3A_624 = arith.shli %shift_right_arithmetic3A_622, %shift_left3A_623 : i32
          %and3A_625 = arith.constant 7 : i32
          %and3A_626 = arith.andi %scan3A_615, %and3A_625 : i32
          %shift_left3A_627 = arith.constant 4 : i32
          %shift_left3A_628 = arith.shli %and3A_626, %shift_left3A_627 : i32
          %add3A_629 = arith.addi %shift_left3A_624, %shift_left3A_628 : i32
          %add3A_630 = vector.broadcast %add3A_629 : i32 to vector<16xi32>
          %add3A_631 = arith.addi %add3A_339, %add3A_630 : vector<16xi32>
          tpu.vector_store_idx %arg9[%add3A_631], %gather3A_620 : memref<16384xf32, #tpu.memory_space<vmem>>[vector<16xi32>], vector<16xf32>,
        }
        %scan3A_345 = arith.constant 32 : i32
      }
      %scan3A_236 = arith.constant 32 : i32
      %add3A_237 = arith.addi %mul3A_2, %add3A_212 : i32
      %shift_right_arithmetic3A_238 = arith.constant 5 : i32
      %shift_right_arithmetic3A_239 = arith.shrsi %add3A_237, %shift_right_arithmetic3A_238 : i32
      %and3A_240 = arith.constant 31 : i32
      %and3A_241 = arith.andi %add3A_237, %and3A_240 : i32
      %mul3A_242 = arith.constant 524288 : i32
      %mul3A_243 = arith.muli %shift_right_arithmetic3A_239, %mul3A_242 : i32
      %add3A_244 = arith.constant 0 : i32
      %add3A_245 = arith.addi %mul3A_243, %add3A_244 : i32
      %mul3A_246 = arith.constant 4096 : i32
      %mul3A_247 = arith.muli %and3A_241, %mul3A_246 : i32
      %add3A_248 = arith.addi %add3A_245, %mul3A_247 : i32
      %mul3A_249 = arith.constant 524288 : i32
      %mul3A_250 = arith.muli %shift_right_arithmetic3A_239, %mul3A_249 : i32
      %add3A_251 = arith.constant 131072 : i32
      %add3A_252 = arith.addi %mul3A_250, %add3A_251 : i32
      %mul3A_253 = arith.constant 4096 : i32
      %mul3A_254 = arith.muli %and3A_241, %mul3A_253 : i32
      %add3A_255 = arith.addi %add3A_252, %mul3A_254 : i32
      %mul3A_256 = arith.constant 524288 : i32
      %mul3A_257 = arith.muli %shift_right_arithmetic3A_239, %mul3A_256 : i32
      %add3A_258 = arith.constant 262144 : i32
      %add3A_259 = arith.addi %mul3A_257, %add3A_258 : i32
      %mul3A_260 = arith.constant 4096 : i32
      %mul3A_261 = arith.muli %and3A_241, %mul3A_260 : i32
      %add3A_262 = arith.addi %add3A_259, %mul3A_261 : i32
      %mul3A_263 = arith.constant 524288 : i32
      %mul3A_264 = arith.muli %shift_right_arithmetic3A_239, %mul3A_263 : i32
      %add3A_265 = arith.constant 393216 : i32
      %add3A_266 = arith.addi %mul3A_264, %add3A_265 : i32
      %mul3A_267 = arith.constant 4096 : i32
      %mul3A_268 = arith.muli %and3A_241, %mul3A_267 : i32
      %add3A_269 = arith.addi %add3A_266, %mul3A_268 : i32
      %dma_start3A_270 = arith.constant 0 : i32
      %dma_start3A_271 = tpu.memref_slice %arg9[%dma_start3A_270] : memref<16384xf32, #tpu.memory_space<vmem>> -> memref<4096xf32, #tpu.memory_space<vmem>>
      %dma_start3A_272 = tpu.memref_slice %arg4[%add3A_248] : memref<26214400xf32, #tpu.memory_space<hbm>> -> memref<4096xf32, #tpu.memory_space<hbm>>
      %dma_start3A_273 = tpu.memref_slice %arg4[%add3A_248] : memref<26214400xf32, #tpu.memory_space<hbm>> -> memref<4096xf32, #tpu.memory_space<hbm>>
      %dma_start3A_274 = arith.constant 0 : i32
      %dma_start3A_275 = tpu.memref_slice %arg9[%dma_start3A_274] : memref<16384xf32, #tpu.memory_space<vmem>> -> memref<4096xf32, #tpu.memory_space<vmem>>
      tpu.enqueue_dma source(%dma_start3A_275 : memref<4096xf32, #tpu.memory_space<vmem>>) target(%dma_start3A_273 : memref<4096xf32, #tpu.memory_space<hbm>>) target_semaphore(%arg13 : memref<!tpu.dma_semaphore, #tpu.memory_space<semaphore_mem>>)
      %dma_start3A_276 = arith.constant 4096 : i32
      %dma_start3A_277 = tpu.memref_slice %arg9[%dma_start3A_276] : memref<16384xf32, #tpu.memory_space<vmem>> -> memref<4096xf32, #tpu.memory_space<vmem>>
      %dma_start3A_278 = tpu.memref_slice %arg4[%add3A_255] : memref<26214400xf32, #tpu.memory_space<hbm>> -> memref<4096xf32, #tpu.memory_space<hbm>>
      %dma_start3A_279 = tpu.memref_slice %arg4[%add3A_255] : memref<26214400xf32, #tpu.memory_space<hbm>> -> memref<4096xf32, #tpu.memory_space<hbm>>
      %dma_start3A_280 = arith.constant 4096 : i32
      %dma_start3A_281 = tpu.memref_slice %arg9[%dma_start3A_280] : memref<16384xf32, #tpu.memory_space<vmem>> -> memref<4096xf32, #tpu.memory_space<vmem>>
      tpu.enqueue_dma source(%dma_start3A_281 : memref<4096xf32, #tpu.memory_space<vmem>>) target(%dma_start3A_279 : memref<4096xf32, #tpu.memory_space<hbm>>) target_semaphore(%arg13 : memref<!tpu.dma_semaphore, #tpu.memory_space<semaphore_mem>>)
      %dma_start3A_282 = arith.constant 8192 : i32
      %dma_start3A_283 = tpu.memref_slice %arg9[%dma_start3A_282] : memref<16384xf32, #tpu.memory_space<vmem>> -> memref<4096xf32, #tpu.memory_space<vmem>>
      %dma_start3A_284 = tpu.memref_slice %arg4[%add3A_262] : memref<26214400xf32, #tpu.memory_space<hbm>> -> memref<4096xf32, #tpu.memory_space<hbm>>
      %dma_start3A_285 = tpu.memref_slice %arg4[%add3A_262] : memref<26214400xf32, #tpu.memory_space<hbm>> -> memref<4096xf32, #tpu.memory_space<hbm>>
      %dma_start3A_286 = arith.constant 8192 : i32
      %dma_start3A_287 = tpu.memref_slice %arg9[%dma_start3A_286] : memref<16384xf32, #tpu.memory_space<vmem>> -> memref<4096xf32, #tpu.memory_space<vmem>>
      tpu.enqueue_dma source(%dma_start3A_287 : memref<4096xf32, #tpu.memory_space<vmem>>) target(%dma_start3A_285 : memref<4096xf32, #tpu.memory_space<hbm>>) target_semaphore(%arg13 : memref<!tpu.dma_semaphore, #tpu.memory_space<semaphore_mem>>)
      %dma_start3A_288 = arith.constant 12288 : i32
      %dma_start3A_289 = tpu.memref_slice %arg9[%dma_start3A_288] : memref<16384xf32, #tpu.memory_space<vmem>> -> memref<4096xf32, #tpu.memory_space<vmem>>
      %dma_start3A_290 = tpu.memref_slice %arg4[%add3A_269] : memref<26214400xf32, #tpu.memory_space<hbm>> -> memref<4096xf32, #tpu.memory_space<hbm>>
      %dma_start3A_291 = tpu.memref_slice %arg4[%add3A_269] : memref<26214400xf32, #tpu.memory_space<hbm>> -> memref<4096xf32, #tpu.memory_space<hbm>>
      %dma_start3A_292 = arith.constant 12288 : i32
      %dma_start3A_293 = tpu.memref_slice %arg9[%dma_start3A_292] : memref<16384xf32, #tpu.memory_space<vmem>> -> memref<4096xf32, #tpu.memory_space<vmem>>
      tpu.enqueue_dma source(%dma_start3A_293 : memref<4096xf32, #tpu.memory_space<vmem>>) target(%dma_start3A_291 : memref<4096xf32, #tpu.memory_space<hbm>>) target_semaphore(%arg13 : memref<!tpu.dma_semaphore, #tpu.memory_space<semaphore_mem>>)
    }
    %scan3A_13 = arith.constant 25 : i32
    %add3A_14 = arith.constant 48 : i32
    %add3A_15 = arith.addi %mul3A_2, %add3A_14 : i32
    %shift_right_arithmetic3A = arith.constant 5 : i32
    %shift_right_arithmetic3A_16 = arith.shrsi %add3A_15, %shift_right_arithmetic3A : i32
    %and3A = arith.constant 31 : i32
    %and3A_17 = arith.andi %add3A_15, %and3A : i32
    %mul3A_18 = arith.constant 524288 : i32
    %mul3A_19 = arith.muli %shift_right_arithmetic3A_16, %mul3A_18 : i32
    %add3A_20 = arith.constant 0 : i32
    %add3A_21 = arith.addi %mul3A_19, %add3A_20 : i32
    %mul3A_22 = arith.constant 4096 : i32
    %mul3A_23 = arith.muli %and3A_17, %mul3A_22 : i32
    %add3A_24 = arith.addi %add3A_21, %mul3A_23 : i32
    %mul3A_25 = arith.constant 524288 : i32
    %mul3A_26 = arith.muli %shift_right_arithmetic3A_16, %mul3A_25 : i32
    %add3A_27 = arith.constant 131072 : i32
    %add3A_28 = arith.addi %mul3A_26, %add3A_27 : i32
    %mul3A_29 = arith.constant 4096 : i32
    %mul3A_30 = arith.muli %and3A_17, %mul3A_29 : i32
    %add3A_31 = arith.addi %add3A_28, %mul3A_30 : i32
    %mul3A_32 = arith.constant 524288 : i32
    %mul3A_33 = arith.muli %shift_right_arithmetic3A_16, %mul3A_32 : i32
    %add3A_34 = arith.constant 262144 : i32
    %add3A_35 = arith.addi %mul3A_33, %add3A_34 : i32
    %mul3A_36 = arith.constant 4096 : i32
    %mul3A_37 = arith.muli %and3A_17, %mul3A_36 : i32
    %add3A_38 = arith.addi %add3A_35, %mul3A_37 : i32
    %mul3A_39 = arith.constant 524288 : i32
    %mul3A_40 = arith.muli %shift_right_arithmetic3A_16, %mul3A_39 : i32
    %add3A_41 = arith.constant 393216 : i32
    %add3A_42 = arith.addi %mul3A_40, %add3A_41 : i32
    %mul3A_43 = arith.constant 4096 : i32
    %mul3A_44 = arith.muli %and3A_17, %mul3A_43 : i32
    %add3A_45 = arith.addi %add3A_42, %mul3A_44 : i32
    %dma_wait3A = arith.constant 0 : i32
    %dma_wait3A_46 = tpu.memref_slice %arg8[%dma_wait3A] : memref<16384xf32, #tpu.memory_space<vmem>> -> memref<4096xf32, #tpu.memory_space<vmem>>
    %dma_wait3A_47 = tpu.memref_slice %arg4[%add3A_24] : memref<26214400xf32, #tpu.memory_space<hbm>> -> memref<4096xf32, #tpu.memory_space<hbm>>
    %dma_wait3A_48 = tpu.memref_slice %arg4[%add3A_24] : memref<26214400xf32, #tpu.memory_space<hbm>> -> memref<4096xf32, #tpu.memory_space<hbm>>
    %dma_wait3A_49 = arith.constant 0 : i32
    %dma_wait3A_50 = tpu.memref_slice %arg8[%dma_wait3A_49] : memref<16384xf32, #tpu.memory_space<vmem>> -> memref<4096xf32, #tpu.memory_space<vmem>>
    tpu.wait_dma2 semaphore(%arg12 : memref<!tpu.dma_semaphore, #tpu.memory_space<semaphore_mem>>) src(%dma_wait3A_50 : memref<4096xf32, #tpu.memory_space<vmem>>) dst(%dma_wait3A_48 : memref<4096xf32, #tpu.memory_space<hbm>>)
    %dma_wait3A_51 = arith.constant 4096 : i32
    %dma_wait3A_52 = tpu.memref_slice %arg8[%dma_wait3A_51] : memref<16384xf32, #tpu.memory_space<vmem>> -> memref<4096xf32, #tpu.memory_space<vmem>>
    %dma_wait3A_53 = tpu.memref_slice %arg4[%add3A_31] : memref<26214400xf32, #tpu.memory_space<hbm>> -> memref<4096xf32, #tpu.memory_space<hbm>>
    %dma_wait3A_54 = tpu.memref_slice %arg4[%add3A_31] : memref<26214400xf32, #tpu.memory_space<hbm>> -> memref<4096xf32, #tpu.memory_space<hbm>>
    %dma_wait3A_55 = arith.constant 4096 : i32
    %dma_wait3A_56 = tpu.memref_slice %arg8[%dma_wait3A_55] : memref<16384xf32, #tpu.memory_space<vmem>> -> memref<4096xf32, #tpu.memory_space<vmem>>
    tpu.wait_dma2 semaphore(%arg12 : memref<!tpu.dma_semaphore, #tpu.memory_space<semaphore_mem>>) src(%dma_wait3A_56 : memref<4096xf32, #tpu.memory_space<vmem>>) dst(%dma_wait3A_54 : memref<4096xf32, #tpu.memory_space<hbm>>)
    %dma_wait3A_57 = arith.constant 8192 : i32
    %dma_wait3A_58 = tpu.memref_slice %arg8[%dma_wait3A_57] : memref<16384xf32, #tpu.memory_space<vmem>> -> memref<4096xf32, #tpu.memory_space<vmem>>
    %dma_wait3A_59 = tpu.memref_slice %arg4[%add3A_38] : memref<26214400xf32, #tpu.memory_space<hbm>> -> memref<4096xf32, #tpu.memory_space<hbm>>
    %dma_wait3A_60 = tpu.memref_slice %arg4[%add3A_38] : memref<26214400xf32, #tpu.memory_space<hbm>> -> memref<4096xf32, #tpu.memory_space<hbm>>
    %dma_wait3A_61 = arith.constant 8192 : i32
    %dma_wait3A_62 = tpu.memref_slice %arg8[%dma_wait3A_61] : memref<16384xf32, #tpu.memory_space<vmem>> -> memref<4096xf32, #tpu.memory_space<vmem>>
    tpu.wait_dma2 semaphore(%arg12 : memref<!tpu.dma_semaphore, #tpu.memory_space<semaphore_mem>>) src(%dma_wait3A_62 : memref<4096xf32, #tpu.memory_space<vmem>>) dst(%dma_wait3A_60 : memref<4096xf32, #tpu.memory_space<hbm>>)
    %dma_wait3A_63 = arith.constant 12288 : i32
    %dma_wait3A_64 = tpu.memref_slice %arg8[%dma_wait3A_63] : memref<16384xf32, #tpu.memory_space<vmem>> -> memref<4096xf32, #tpu.memory_space<vmem>>
    %dma_wait3A_65 = tpu.memref_slice %arg4[%add3A_45] : memref<26214400xf32, #tpu.memory_space<hbm>> -> memref<4096xf32, #tpu.memory_space<hbm>>
    %dma_wait3A_66 = tpu.memref_slice %arg4[%add3A_45] : memref<26214400xf32, #tpu.memory_space<hbm>> -> memref<4096xf32, #tpu.memory_space<hbm>>
    %dma_wait3A_67 = arith.constant 12288 : i32
    %dma_wait3A_68 = tpu.memref_slice %arg8[%dma_wait3A_67] : memref<16384xf32, #tpu.memory_space<vmem>> -> memref<4096xf32, #tpu.memory_space<vmem>>
    tpu.wait_dma2 semaphore(%arg12 : memref<!tpu.dma_semaphore, #tpu.memory_space<semaphore_mem>>) src(%dma_wait3A_68 : memref<4096xf32, #tpu.memory_space<vmem>>) dst(%dma_wait3A_66 : memref<4096xf32, #tpu.memory_space<hbm>>)
    %add3A_69 = arith.constant 49 : i32
    %add3A_70 = arith.addi %mul3A_2, %add3A_69 : i32
    %shift_right_arithmetic3A_71 = arith.constant 5 : i32
    %shift_right_arithmetic3A_72 = arith.shrsi %add3A_70, %shift_right_arithmetic3A_71 : i32
    %and3A_73 = arith.constant 31 : i32
    %and3A_74 = arith.andi %add3A_70, %and3A_73 : i32
    %mul3A_75 = arith.constant 524288 : i32
    %mul3A_76 = arith.muli %shift_right_arithmetic3A_72, %mul3A_75 : i32
    %add3A_77 = arith.constant 0 : i32
    %add3A_78 = arith.addi %mul3A_76, %add3A_77 : i32
    %mul3A_79 = arith.constant 4096 : i32
    %mul3A_80 = arith.muli %and3A_74, %mul3A_79 : i32
    %add3A_81 = arith.addi %add3A_78, %mul3A_80 : i32
    %mul3A_82 = arith.constant 524288 : i32
    %mul3A_83 = arith.muli %shift_right_arithmetic3A_72, %mul3A_82 : i32
    %add3A_84 = arith.constant 131072 : i32
    %add3A_85 = arith.addi %mul3A_83, %add3A_84 : i32
    %mul3A_86 = arith.constant 4096 : i32
    %mul3A_87 = arith.muli %and3A_74, %mul3A_86 : i32
    %add3A_88 = arith.addi %add3A_85, %mul3A_87 : i32
    %mul3A_89 = arith.constant 524288 : i32
    %mul3A_90 = arith.muli %shift_right_arithmetic3A_72, %mul3A_89 : i32
    %add3A_91 = arith.constant 262144 : i32
    %add3A_92 = arith.addi %mul3A_90, %add3A_91 : i32
    %mul3A_93 = arith.constant 4096 : i32
    %mul3A_94 = arith.muli %and3A_74, %mul3A_93 : i32
    %add3A_95 = arith.addi %add3A_92, %mul3A_94 : i32
    %mul3A_96 = arith.constant 524288 : i32
    %mul3A_97 = arith.muli %shift_right_arithmetic3A_72, %mul3A_96 : i32
    %add3A_98 = arith.constant 393216 : i32
    %add3A_99 = arith.addi %mul3A_97, %add3A_98 : i32
    %mul3A_100 = arith.constant 4096 : i32
    %mul3A_101 = arith.muli %and3A_74, %mul3A_100 : i32
    %add3A_102 = arith.addi %add3A_99, %mul3A_101 : i32
    %dma_wait3A_103 = arith.constant 0 : i32
    %dma_wait3A_104 = tpu.memref_slice %arg9[%dma_wait3A_103] : memref<16384xf32, #tpu.memory_space<vmem>> -> memref<4096xf32, #tpu.memory_space<vmem>>
    %dma_wait3A_105 = tpu.memref_slice %arg4[%add3A_81] : memref<26214400xf32, #tpu.memory_space<hbm>> -> memref<4096xf32, #tpu.memory_space<hbm>>
    %dma_wait3A_106 = tpu.memref_slice %arg4[%add3A_81] : memref<26214400xf32, #tpu.memory_space<hbm>> -> memref<4096xf32, #tpu.memory_space<hbm>>
    %dma_wait3A_107 = arith.constant 0 : i32
    %dma_wait3A_108 = tpu.memref_slice %arg9[%dma_wait3A_107] : memref<16384xf32, #tpu.memory_space<vmem>> -> memref<4096xf32, #tpu.memory_space<vmem>>
    tpu.wait_dma2 semaphore(%arg13 : memref<!tpu.dma_semaphore, #tpu.memory_space<semaphore_mem>>) src(%dma_wait3A_108 : memref<4096xf32, #tpu.memory_space<vmem>>) dst(%dma_wait3A_106 : memref<4096xf32, #tpu.memory_space<hbm>>)
    %dma_wait3A_109 = arith.constant 4096 : i32
    %dma_wait3A_110 = tpu.memref_slice %arg9[%dma_wait3A_109] : memref<16384xf32, #tpu.memory_space<vmem>> -> memref<4096xf32, #tpu.memory_space<vmem>>
    %dma_wait3A_111 = tpu.memref_slice %arg4[%add3A_88] : memref<26214400xf32, #tpu.memory_space<hbm>> -> memref<4096xf32, #tpu.memory_space<hbm>>
    %dma_wait3A_112 = tpu.memref_slice %arg4[%add3A_88] : memref<26214400xf32, #tpu.memory_space<hbm>> -> memref<4096xf32, #tpu.memory_space<hbm>>
    %dma_wait3A_113 = arith.constant 4096 : i32
    %dma_wait3A_114 = tpu.memref_slice %arg9[%dma_wait3A_113] : memref<16384xf32, #tpu.memory_space<vmem>> -> memref<4096xf32, #tpu.memory_space<vmem>>
    tpu.wait_dma2 semaphore(%arg13 : memref<!tpu.dma_semaphore, #tpu.memory_space<semaphore_mem>>) src(%dma_wait3A_114 : memref<4096xf32, #tpu.memory_space<vmem>>) dst(%dma_wait3A_112 : memref<4096xf32, #tpu.memory_space<hbm>>)
    %dma_wait3A_115 = arith.constant 8192 : i32
    %dma_wait3A_116 = tpu.memref_slice %arg9[%dma_wait3A_115] : memref<16384xf32, #tpu.memory_space<vmem>> -> memref<4096xf32, #tpu.memory_space<vmem>>
    %dma_wait3A_117 = tpu.memref_slice %arg4[%add3A_95] : memref<26214400xf32, #tpu.memory_space<hbm>> -> memref<4096xf32, #tpu.memory_space<hbm>>
    %dma_wait3A_118 = tpu.memref_slice %arg4[%add3A_95] : memref<26214400xf32, #tpu.memory_space<hbm>> -> memref<4096xf32, #tpu.memory_space<hbm>>
    %dma_wait3A_119 = arith.constant 8192 : i32
    %dma_wait3A_120 = tpu.memref_slice %arg9[%dma_wait3A_119] : memref<16384xf32, #tpu.memory_space<vmem>> -> memref<4096xf32, #tpu.memory_space<vmem>>
    tpu.wait_dma2 semaphore(%arg13 : memref<!tpu.dma_semaphore, #tpu.memory_space<semaphore_mem>>) src(%dma_wait3A_120 : memref<4096xf32, #tpu.memory_space<vmem>>) dst(%dma_wait3A_118 : memref<4096xf32, #tpu.memory_space<hbm>>)
    %dma_wait3A_121 = arith.constant 12288 : i32
    %dma_wait3A_122 = tpu.memref_slice %arg9[%dma_wait3A_121] : memref<16384xf32, #tpu.memory_space<vmem>> -> memref<4096xf32, #tpu.memory_space<vmem>>
    %dma_wait3A_123 = tpu.memref_slice %arg4[%add3A_102] : memref<26214400xf32, #tpu.memory_space<hbm>> -> memref<4096xf32, #tpu.memory_space<hbm>>
    %dma_wait3A_124 = tpu.memref_slice %arg4[%add3A_102] : memref<26214400xf32, #tpu.memory_space<hbm>> -> memref<4096xf32, #tpu.memory_space<hbm>>
    %dma_wait3A_125 = arith.constant 12288 : i32
    %dma_wait3A_126 = tpu.memref_slice %arg9[%dma_wait3A_125] : memref<16384xf32, #tpu.memory_space<vmem>> -> memref<4096xf32, #tpu.memory_space<vmem>>
    tpu.wait_dma2 semaphore(%arg13 : memref<!tpu.dma_semaphore, #tpu.memory_space<semaphore_mem>>) src(%dma_wait3A_126 : memref<4096xf32, #tpu.memory_space<vmem>>) dst(%dma_wait3A_124 : memref<4096xf32, #tpu.memory_space<hbm>>)
    return
  }
}

</mosaic_0001>

<sc_bundles>
// kernel: _sc_gather_t.3.cloned.1.call-start
scs
__scs_entry_jumppad:
0x0: {  	(pc) =	sbr.rel $0x88, $3  }
0x1: {  	(tag) =	ssettag $0x0;
	lr =	simm.s32 $0x1  }
0x2: {  	[smem:$0x3F9F] =	sst lr;
	_ =	strace $0xD0000000  }
0x3: {  	_ = 	snop  }
0x4: {  	_ = 	snop  }
0x5: {  	_ = 	snop  }
0x6: {  	_ = 	snop  }
0x7: {  	_ = 	snop  }
__scs_overlays_trampoline_lowered:
0x8: {  	[smem:$0x3FAE] =	sst s0  }
0x9: {  	[smem:$0x3FAF] =	sst s1  }
0xa: {  	[smem:$0x3FB0] =	sst s2  }
0xb: {  	[smem:$0x3FB1] =	sst s3  }
0xc: {  	[smem:$0x3FB2] =	sst s4  }
0xd: {  	[smem:$0x3FB3] =	sst s5  }
0xe: {  	[smem:$0x3FB4] =	sst s6  }
0xf: {  	[smem:$0x3FB5] =	sst s7  }
0x10: {  	[smem:$0x3FB6] =	sst s8  }
0x11: {  	[smem:$0x3FB7] =	sst s9;
	s0 =	simm.s32 @!p0 $0x0  }
0x12: {  	s1 =	sld [smem:$0x3F9D];
	s0 =	simm.s32 @p0 $0x1  }
0x13: {  	[smem:$0x3FB8] =	sst s0;
	s0 =	simm.s32 @!p1 $0x0  }
0x14: {  	s2 =	sld [smem:$0x3F9C];
	s0 =	simm.s32 @p1 $0x1  }
0x15: {  	[smem:$0x3FB9] =	sst s0;
	s0 =	simm.s32 @!p2 $0x0  }
0x16: {  	s3 =	sld [smem:$0x3FDB];
	s0 =	simm.s32 @p2 $0x1  }
0x17: {  	s4 =	simm.s32 $0x1BF5;
	[smem:$0x3FBB] =	sst s0  }
0x18: {  	s0 =	sld [smem:$0x3F9E];
	_ =	swait.ge [sflag:s4], $0x0  }
0x19: {  	s7 =	sld [smem:$0x3F9F]  }
0x1a: {  	s8 =	sadd.s32 $0xFFFFE003, lr  }
0x1b: {  	s9 =	sadd.s32 $0xFFFFFEF7, lr;
	s5 =	simm.s32 $0xFFFFFFFF;
	p2 =	slt.u32 s8, $0xFFFFF086  }
0x1c: {  	p1 =	slt.u32 s9, $0xF7A;
	s5 =	simm.s32 @!p2 $0x0  }
0x1d: {  	s5 =	simm.s32 @p1 $0x1;
	p0 =	seq.s32 s7, s2  }
0x1e: {  	s7 =	smul.u32 @!p0 $0xF7A, s2;
	p2 =	seq.s32 @!p0 s5, $0x0  }
0x1f: {  	s9 =	smul.u32 $0xF7A, s1;
	s8 =	simm.s32 @!p0 $0x1BF5;
	p2 =	por !p2, p0  }
0x20: {  	[sflag:s8] =	ssyncset.s32 @!p0 $0xFFFFF086;
	s6 =	sadd.s32 @!p0 s3, s7;
	s7 =	simm.s32 @!p0 $0x108  }
0x21: {  	s3 =	sadd.s32 s3, s9;
	s6 =	sadd.s32 @!p0 $0x88, s6;
	s7 =	simm.s32 @p2 $0x1082  }
0x22: {  	[simem:s7], [sflag:s8] =	dma.local @!p0 [hbm:s6], $0xF7A  }
0x23: {  	s9 =	sor.u32 $0xD0000000, s2;
	s6 =	simm.s32 $0x108;
	_ =	swait.ge @!p0 [sflag:s8], $0x0  }
0x24: {  	s3 =	sadd.s32 $0x88, s3;
	s6 =	simm.s32 @!p1 $0x1082;
	[sflag:s4] =	ssyncset.s32 $0xFFFFF086  }
0x25: {  	[simem:s6], [sflag:s4] =	dma.local [hbm:s3], $0xF7A  }
0x26: {  	[smem:$0x3F9F] =	sst s1;
	(tag) =	ssettag s2;
	_ =	strace s9  }
0x27: {  	s1 =	sld [smem:$0x3FAF]  }
0x28: {  	s2 =	sld [smem:$0x3FB0]  }
0x29: {  	s4 =	sld [smem:$0x3FB2]  }
0x2a: {  	p0 =	seq.s32 s5, $0x0;
	s5 =	sld [smem:$0x3FB3]  }
0x2b: {  	s6 =	sld [smem:$0x3FB4]  }
0x2c: {  	s7 =	sld [smem:$0x3FB5]  }
0x2d: {  	s3 =	simm.s32 $0x108;
	s8 =	sld [smem:$0x3FB6]  }
0x2e: {  	s3 =	simm.s32 @!p0 $0x1082;
	s9 =	sld [smem:$0x3FB7]  }
0x2f: {  	lr =	sadd.s32 s0, s3;
	s0 =	sld [smem:$0x3FAE]  }
0x30: {  	s3 =	sld [smem:$0x3FB1]  }
0x31: {  	[smem:$0x3FBA] =	sst s10  }
0x32: {  	s10 =	sld [smem:$0x3FB8];
	_ =	sdelay $0x3  }
0x33: {  	p0 =	seq.s32 s10, $0x1;
	s10 =	sld [smem:$0x3FBA];
	_ =	sdelay $0x3  }
0x34: {  	[smem:$0x3FBA] =	sst s10  }
0x35: {  	s10 =	sld [smem:$0x3FB9];
	_ =	sdelay $0x3  }
0x36: {  	p1 =	seq.s32 s10, $0x1;
	s10 =	sld [smem:$0x3FBA];
	_ =	sdelay $0x3  }
0x37: {  	[smem:$0x3FBA] =	sst s10  }
0x38: {  	s10 =	sld [smem:$0x3FBB]  }
0x39: {  	_ = 	snop;
	(pc) =	sbr.ind lr, $3  }
0x3a: {  	_ = 	snop  }
0x3b: {  	_ = 	snop  }
0x3c: {  	p2 =	seq.s32 s10, $0x1;
	s10 =	sld [smem:$0x3FBA]  }
0x3d: {  	_ =	shalt  }
0x3e: {  	_ =	shalt  }
0x3f: {  	_ =	shalt  }
0x40: {  	_ =	shalt  }
0x41: {  	_ =	shalt  }
0x42: {  	_ =	shalt  }
0x43: {  	_ =	shalt  }
0x44: {  	_ =	shalt  }
0x45: {  	_ =	shalt  }
0x46: {  	_ =	shalt  }
0x47: {  	_ =	shalt  }
0x48: {  	_ =	shalt  }
0x49: {  	_ =	shalt  }
0x4a: {  	_ =	shalt  }
0x4b: {  	_ =	shalt  }
0x4c: {  	_ =	shalt  }
0x4d: {  	_ =	shalt  }
0x4e: {  	_ =	shalt  }
0x4f: {  	_ =	shalt  }
0x50: {  	_ =	shalt  }
0x51: {  	_ =	shalt  }
0x52: {  	_ =	shalt  }
0x53: {  	_ =	shalt  }
0x54: {  	_ =	shalt  }
0x55: {  	_ =	shalt  }
0x56: {  	_ =	shalt  }
0x57: {  	_ =	shalt  }
0x58: {  	_ =	shalt  }
0x59: {  	_ =	shalt  }
0x5a: {  	_ =	shalt  }
0x5b: {  	_ =	shalt  }
0x5c: {  	_ =	shalt  }
0x5d: {  	_ =	shalt  }
0x5e: {  	_ =	shalt  }
0x5f: {  	_ =	shalt  }
0x60: {  	_ =	shalt  }
0x61: {  	_ =	shalt  }
0x62: {  	_ =	shalt  }
0x63: {  	_ =	shalt  }
0x64: {  	_ =	shalt  }
0x65: {  	_ =	shalt  }
0x66: {  	_ =	shalt  }
0x67: {  	_ =	shalt  }
0x68: {  	_ =	shalt  }
0x69: {  	_ =	shalt  }
0x6a: {  	_ =	shalt  }
0x6b: {  	_ =	shalt  }
0x6c: {  	_ =	shalt  }
0x6d: {  	_ =	shalt  }
0x6e: {  	_ =	shalt  }
0x6f: {  	_ =	shalt  }
0x70: {  	_ =	shalt  }
0x71: {  	_ =	shalt  }
0x72: {  	_ =	shalt  }
0x73: {  	_ =	shalt  }
0x74: {  	_ =	shalt  }
0x75: {  	_ =	shalt  }
0x76: {  	_ =	shalt  }
0x77: {  	_ =	shalt  }
0x78: {  	_ =	shalt  }
0x79: {  	_ =	shalt  }
0x7a: {  	_ =	shalt  }
0x7b: {  	_ =	shalt  }
0x7c: {  	_ =	shalt  }
0x7d: {  	_ =	shalt  }
0x7e: {  	_ =	shalt  }
0x7f: {  	_ =	shalt  }
0x80: {  	_ =	shalt  }
0x81: {  	_ =	shalt  }
0x82: {  	_ =	shalt  }
0x83: {  	_ =	shalt  }
0x84: {  	_ =	shalt  }
0x85: {  	_ =	shalt  }
0x86: {  	_ =	shalt  }
0x87: {  	_ =	shalt  }
.Lfunc_end0:
.L_simem_size_0:
called_computation_lowered:
.L_overlay_start_0:
0x88: {  	s2 =	sld [smem:$0x3FD9]  }
0x89: {  	s3 =	sld [smem:$0x3FFE];
	_ =	sdelay $0x1  }
0x8a: {  	s1 =	srdreg.scid  }
0x8b: {  	s0 =	sand.u32 $0x1, s1  }
0x8c: {  	s17 =	sshll.u32 s0, $0xA;
	s2 =	sadd.s32 s3, s2  }
0x8d: {  	s2 =	sadd.s32 s2, s17  }
0x8e: {  	[smem:$0x3FC6] =	sst s2  }
0x8f: {  	_ = 	snop  }
0x90: {  	s2 =	sld [smem:$0x3FC8]  }
0x91: {  	s18 =	sld [smem:$0x3FD0];
	(tm) =	ssettm $0x1  }
0x92: {  	s4 =	sld [smem:$0x3FFB];
	_ =	sdelay $0x3  }
0x93: {  	_ =	strace s4  }
0x94: {  	s4 =	sld [smem:$0x3FFC];
	_ =	sdelay $0x3  }
0x95: {  	_ =	strace s4  }
0x96: {  	s4 =	sld [smem:$0x3FFD];
	_ =	sdelay $0x3  }
0x97: {  	_ =	strace s4  }
0x98: {  	_ =	strace $0x8FFFFFFF  }
0x99: {  	s19 =	sld [smem:$0x3FDB];
	_ =	sdelay $0x1  }
0x9a: {  	s5 =	simm.s32 $_scs_section_size  }
0x9b: {  	s6 =	simm.s32 $_size__tile_overlayer_lowered;
	s7 =	simm.s32 $_tile_overlayer_lowered  }
0x9c: {  	s22 =	simm.s32 $0x1BFF;
	s21 =	sshll.u32 s7, $0x1;
	s4 =	sadd.s32 s5, s19  }
0x9d: {  	s8 =	simm.s32 $0x0;
	s20 =	sshll.u32 s6, $0x1;
	s6 =	sadd.s32 s21, s4  }
0x9e: {  	[timem:s8], [sflag:s22] =	dma.local [hbm:s6], s20  }
0x9f: {  	_ =	swait.ge [sflag:s22], s20  }
0xa0: {  	s5 =	ssub.s32 $0x0, s20;
	[sflag:s22] =	ssyncset.done $0x0  }
0xa1: {  	[sflag:s22] =	ssyncadd.s32 s5;
	_ =	sdelay $0x1  }
0xa2: {  	s23 =	simm.s32 $0x1B8B  }
0xa3: {  	_ =	swait.ge [sflag:s23], $0x1  }
0xa4: {  	[sflag:s23] =	ssyncset.done $0x0  }
0xa5: {  	s25 =	simm.s32 $0x1B8E;
	s24 =	sld [smem:$0x3FFE];
	[sflag:s23] =	ssyncadd.s32 $0xFFFFFFFF  }
0xa6: {  	s26 =	simm.s32 $execute0_lowered;
	[smem:$0x3FD2] =	sst s25  }
0xa7: {  	s6 =	sshll.u32 s26, $0x1;
	_ =	strace $0x80000046;
	[dreg:$0x1] =	wrdreg $0xFFFFFFFF  }
0xa8: {  	s28 =	simm.s32 $_size_execute0_lowered;
	s4 =	sadd.s32 s4, s6;
	[dreg:$0x0] =	wrdreg $0x0  }
0xa9: {  	s6 =	sshll.u32 s28, $0x1;
	[dreg:$0x2] =	wrdreg s4  }
0xaa: {  	[dreg:$0x3] =	wrdreg s6  }
0xab: {  	[dreg:$0x4] =	wrdreg $0xC0  }
0xac: {  	_ =	task [dreg:s8], $0x5FFFF  }
0xad: {  	[dreg:$0x1] =	wrdreg $0xFFFFFFFF  }
0xae: {  	[dreg:$0x0] =	wrdreg $0x60  }
0xaf: {  	[dreg:$0x2] =	wrdreg s24  }
0xb0: {  	[dreg:$0x3] =	wrdreg s2  }
0xb1: {  	[dreg:$0x4] =	wrdreg s18  }
0xb2: {  	[dreg:$0x5] =	wrdreg $0x9  }
0xb3: {  	_ =	task.clear_ibuf [dreg:s8], $0x6FFFF;
	_ =	strace $0x90000046  }
0xb4: {  	s29 =	simm.s32 $0x9;
	_ =	strace $0x80000048  }
0xb5: {  	_ =	swait.ge [sflag:s29], $0x1  }
0xb6: {  	[sflag:s29] =	ssyncadd.s32 $0xFFFFFFFF  }
0xb7: {  	_ =	strace $0x90000048  }
0xb8: {  	_ =	sfence  }
0xb9: {  	s30 =	sld [smem:$0x0];
	_ =	sdelay $0x2  }
0xba: {  	s31 =	sshll.u32 s1, $0xD;
	s1 =	sshrl.u32 s1, $0x2  }
0xbb: {  	s3 =	sand.u32 $0x4000, s31;
	s1 =	sadd.s32 s1, s30  }
0xbc: {  	s0 =	sor.u32 s3, s0;
	s1 =	sshll.u32 s1, $0x11  }
0xbd: {  	s0 =	sor.u32 s1, s0  }
0xbe: {  	s0 =	sadd.s32 $0x8F2B, s0  }
0xbf: {  	[sflag:s0] =	ssyncadd.remote.s32 $0x1  }
0xc0: {  	_ =	sfence.sel $0xFFFF  }
0xc1: {  	[dreg:$0x0] =	wrdreg $0xFFFFFFFF;
	(pc) =	sbr.abs _section_cstart, $3  }
0xc2: {  	[dreg:$0x1] =	wrdreg $0xFFFFFFFF  }
0xc3: {  	_ =	task.clear_ibuf [dreg:s8], $0x2FFFF;
	_ =	strace $0x9FFFFFFF  }
0xc4: {  	(tm) =	ssettm $0x7FFFFFFF  }
0xc5: {  	_ =	shalt  }
tec
execute0_lowered:
.L_overlay_start_1:
0x0: {  	(tag) =	ssettag $0x1  }
0x1: {  	s0 =	rddreg [dreg:$0x0]  }
0x2: {  	s1 =	rddreg [dreg:$0x1]  }
0x3: {  	s3 =	srdreg.scid;
	s5 =	stileid.u32  }
0x4: {  	s2 =	rddreg [dreg:$0x2];
	s12 =	simm.s32 $0x200;
	s13 =	simm.s32 $0x6400  }
0x5: {  	s14 =	simm.s32 $0xA400;
	s15 =	simm.s32 $0x1;
	s16 =	simm.s32 $0xE400  }
0x6: {  	s17 =	simm.s32 $0xF400;
	s18 =	simm.s32 $0x10400;
	s19 =	simm.s32 $0x11400  }
0x7: {  	s20 =	simm.s32 $0x2;
	s21 =	simm.s32 $0x4;
	s22 =	simm.s32 $0x12400  }
0x8: {  	s23 =	simm.s32 $0x13400;
	s24 =	simm.s32 $0x14400;
	s25 =	simm.s32 $0x15400  }
0x9: {  	s26 =	simm.s32 $0x3;
	s4 =	sand.u32 $0x1, s3;
	s5 =	sshll.u32 s5, $0x1  }
0xa: {  	s28 =	simm.s32 $0x0;
	s3 =	simm.s32 $0x0;
	s5 =	sor.u32 s4, s5  }
0xb: {  	s8 =	sadd.s32 $0x8000, s2;
	s6 =	ssub.s32 $0x2, s4;
	s7 =	smul.u32 $0xC80, s5  }
0xc: {  	s9 =	sadd.s32 $0xC000, s2;
	[smem:$0x7FF] =	sst s3;
	s31 =	sshrl.u32 s6, $0x1  }
0xd: {  	v0 =	vlaneseq.u32;
	s4 =	sadd.s32 $0xF42800, s0;
	s0 =	ssub.s32 s6, s31;
	s1 =	sadd.s32 s1, s7  }
0xe: {  	v1 =	vshrl.u32 v0, $0x3;
	_ =	strace $0x80000047;
	s0 =	smax.u32 s0, $0x1;
	[dreg:$0x4] =	wrdreg s1  }
0xf: {  	v2 =	vand.u32 $0x7, v0;
	v3 =	vmul.u32 $0x20, v0;
	v1 =	vmul.u32 $0x8, v1;
	s5 =	smul.u32 $0x32, s5;
	s7 =	sadd.s32 $0x4000, s2;
	[dreg:$0x5] =	wrdreg s0  }
.LBB2_1:
0x10: {  	s0 =	rddreg [dreg:$0x4];
	s31 =	simm.s32 $0x5  }
0x11: {  	[tilespmem:s3], [sflag:$0x5] =	stream.linear.gather [hbm4b:s0+s3], $0x6400, $0x38;
	[tilespmem:$0x16400] =	vst v63  }
0x12: {  	_ =	swait.ge [sflag:s31], $0x6400  }
0x13: {  	[sflag:s31] =	ssyncset.done $0x0  }
0x14: {  	s29 =	simm.s32 $0x0;
	[sflag:s31] =	ssyncadd.s32 $0xFFFF9C00  }
0x15: {  	[tilespmem:s13], [sflag:$0x1] =	stream.indirect.gather [hbm4b:s4+s12], $0x20, s3, s12, $0xb8;
	[tilespmem:$0x16400] =	vst v63  }
.LBB2_2:
0x16: {  	s30 =	sshllo.u32 s29, $0x1  }
0x17: {  	s0 =	sshll.u32 s30, $0x9  }
0x18: {  	s0 =	sand.u32 $0x3FFFFE00, s0  }
0x19: {  	[tilespmem:s14], [sflag:$0x2] =	stream.indirect.gather [hbm4b:s4+s12], $0x20, s0, s12, $0xb8;
	[tilespmem:$0x16400] =	vst v63  }
0x1a: {  	_ =	swait.ge [sflag:s15], $0x4000  }
0x1b: {  	p0 =	seq.s32 s29, $0x0;
	[sflag:s15] =	ssyncset.done $0x0  }
0x1c: {  	s0 =	simm.s32 @!p0 $0x3;
	[sflag:s15] =	ssyncadd.s32 $0xFFFFC000  }
0x1d: {  	_ =	swait.ge @!p0 [sflag:s0], $0x1000  }
0x1e: {  	[sflag:s0] =	ssyncset.done @!p0 $0x0  }
0x1f: {  	[sflag:s0] =	ssyncadd.s32 @!p0 $0xFFFFF000  }
0x20: {  	_ =	swait.ge @!p0 [sflag:s0], $0x1000  }
0x21: {  	[sflag:s0] =	ssyncset.done @!p0 $0x0  }
0x22: {  	[sflag:s0] =	ssyncadd.s32 @!p0 $0xFFFFF000  }
0x23: {  	_ =	swait.ge @!p0 [sflag:s0], $0x1000  }
0x24: {  	[sflag:s0] =	ssyncset.done @!p0 $0x0  }
0x25: {  	[sflag:s0] =	ssyncadd.s32 @!p0 $0xFFFFF000  }
0x26: {  	_ =	swait.ge @!p0 [sflag:s0], $0x1000  }
0x27: {  	[sflag:s0] =	ssyncset.done @!p0 $0x0  }
0x28: {  	s31 =	sshll.u32 s29, $0x1;
	s1 =	simm.s32 $0x0;
	[sflag:s0] =	ssyncadd.s32 @!p0 $0xFFFFF000  }
.LBB2_3:
0x29: {  	v4 =	vadd.s32 s1, v0  }
0x2a: {  	v5 =	vshll.u32 v4, $0x9;
	v6 =	vshll.u32 v4, $0x7  }
0x2b: {  	v5 =	vand.u32 $0x3000, v5;
	v6 =	vand.u32 $0x380, v6  }
0x2c: {  	v5 =	vor.u32 v5, v6  }
0x2d: {  	v5 =	vor.u32 v2, v5  }
0x2e: {  	p1 =	por $0x1, $0x1;
	s0 =	simm.s32 $0x0;
	v4 =	vand.u32 $0x1F, v4;
	v5 =	vor.u32 v1, v5  }
.LBB2_4:
0x2f: {  	s10 =	sshll.u32 s0, $0x4  }
0x30: {  	v6 =	vmov s10  }
0x31: {  	v6 =	vshll.u32 v6, $0x5  }
0x32: {  	v6 =	vor.u32 v3, v6  }
0x33: {  	v6 =	vor.u32 v4, v6;
	_ =	sdelay $0x1  }
0x34: {  	s6 =	sor.u32 $0x10, s10  }
0x35: {  	v7 =	vmov s6  }
0x36: {  	s6 =	sshll.u32 s0, $0x7;
	v7 =	vshll.u32 v7, $0x5  }
0x37: {  	v8 =	vor.u32 s6, v5;
	v7 =	vor.u32 v3, v7;
	v6 =	vld.idx.msk [tilespmem:v6+s13+$0x0], $0xffff  }
0x38: {  	v7 =	vor.u32 v4, v7;
	_ =	sdelay $0x1  }
0x39: {  	s11 =	sor.u32 $0x20, s10  }
0x3a: {  	v9 =	vmov s11  }
0x3b: {  	s11 =	sor.u32 $0x10, s6;
	[tilespmem:v8+s16+$0x0] =	vst.idx.msk $0xffff, v6;
	v6 =	vshll.u32 v9, $0x5  }
0x3c: {  	v37 =	vor.u32 s11, v5;
	v7 =	vld.idx.msk [tilespmem:v7+s13+$0x0], $0xffff;
	v6 =	vor.u32 v3, v6  }
0x3d: {  	v6 =	vor.u32 v4, v6;
	_ =	sdelay $0x1  }
0x3e: {  	s11 =	sor.u32 $0x30, s10  }
0x3f: {  	v38 =	vmov s11  }
0x40: {  	s11 =	sor.u32 $0x20, s6;
	[tilespmem:v37+s16+$0x0] =	vst.idx.msk $0xffff, v7;
	v7 =	vshll.u32 v38, $0x5  }
0x41: {  	v39 =	vor.u32 s11, v5;
	v6 =	vld.idx.msk [tilespmem:v6+s13+$0x0], $0xffff;
	v7 =	vor.u32 v3, v7  }
0x42: {  	v7 =	vor.u32 v4, v7;
	_ =	sdelay $0x1  }
0x43: {  	s11 =	sor.u32 $0x40, s10  }
0x44: {  	v40 =	vmov s11  }
0x45: {  	s11 =	sor.u32 $0x30, s6;
	[tilespmem:v39+s16+$0x0] =	vst.idx.msk $0xffff, v6;
	v6 =	vshll.u32 v40, $0x5  }
0x46: {  	v41 =	vor.u32 s11, v5;
	v7 =	vld.idx.msk [tilespmem:v7+s13+$0x0], $0xffff;
	v6 =	vor.u32 v3, v6  }
0x47: {  	v6 =	vor.u32 v4, v6;
	_ =	sdelay $0x1  }
0x48: {  	s11 =	sor.u32 $0x50, s10  }
0x49: {  	v42 =	vmov s11  }
0x4a: {  	s11 =	sor.u32 $0x40, s6;
	[tilespmem:v41+s16+$0x0] =	vst.idx.msk $0xffff, v7;
	v7 =	vshll.u32 v42, $0x5  }
0x4b: {  	v43 =	vor.u32 s11, v5;
	v6 =	vld.idx.msk [tilespmem:v6+s13+$0x0], $0xffff;
	v7 =	vor.u32 v3, v7  }
0x4c: {  	v7 =	vor.u32 v4, v7;
	_ =	sdelay $0x1  }
0x4d: {  	s11 =	sor.u32 $0x60, s10  }
0x4e: {  	v44 =	vmov s11  }
0x4f: {  	s11 =	sor.u32 $0x50, s6;
	[tilespmem:v43+s16+$0x0] =	vst.idx.msk $0xffff, v6;
	v6 =	vshll.u32 v44, $0x5  }
0x50: {  	v45 =	vor.u32 s11, v5;
	v7 =	vld.idx.msk [tilespmem:v7+s13+$0x0], $0xffff;
	v6 =	vor.u32 v3, v6  }
0x51: {  	v6 =	vor.u32 v4, v6;
	_ =	sdelay $0x1  }
0x52: {  	s10 =	sor.u32 $0x70, s10  }
0x53: {  	v46 =	vmov s10  }
0x54: {  	s11 =	sor.u32 $0x60, s6;
	[tilespmem:v45+s16+$0x0] =	vst.idx.msk $0xffff, v7;
	v7 =	vshll.u32 v46, $0x5  }
0x55: {  	v47 =	vor.u32 s11, v5;
	v6 =	vld.idx.msk [tilespmem:v6+s13+$0x0], $0xffff;
	v7 =	vor.u32 v3, v7  }
0x56: {  	v7 =	vor.u32 v4, v7  }
0x57: {  	s10 =	sor.u32 $0x8, s0  }
0x58: {  	s11 =	sshll.u32 s10, $0x4  }
0x59: {  	v48 =	vmov s11  }
0x5a: {  	s6 =	sor.u32 $0x70, s6;
	[tilespmem:v47+s16+$0x0] =	vst.idx.msk $0xffff, v6;
	v6 =	vshll.u32 v48, $0x5  }
0x5b: {  	v49 =	vor.u32 s6, v5;
	v7 =	vld.idx.msk [tilespmem:v7+s13+$0x0], $0xffff;
	v6 =	vor.u32 v3, v6  }
0x5c: {  	v6 =	vor.u32 v4, v6  }
0x5d: {  	s6 =	sor.u32 $0x9, s0  }
0x5e: {  	s11 =	sshll.u32 s6, $0x4  }
0x5f: {  	v50 =	vmov s11  }
0x60: {  	s10 =	sshll.u32 s10, $0x7;
	[tilespmem:v49+s16+$0x0] =	vst.idx.msk $0xffff, v7;
	v7 =	vshll.u32 v50, $0x5  }
0x61: {  	v51 =	vor.u32 s10, v5;
	v6 =	vld.idx.msk [tilespmem:v6+s13+$0x0], $0xffff;
	v7 =	vor.u32 v3, v7  }
0x62: {  	v7 =	vor.u32 v4, v7  }
0x63: {  	s10 =	sor.u32 $0xA, s0  }
0x64: {  	s6 =	sshll.u32 s6, $0x7;
	s11 =	sshll.u32 s10, $0x4  }
0x65: {  	s6 =	sand.u32 $0xC00, s6;
	v52 =	vmov s11  }
0x66: {  	s6 =	sor.u32 $0x10, s6;
	[tilespmem:v51+s16+$0x0] =	vst.idx.msk $0xffff, v6;
	v6 =	vshll.u32 v52, $0x5  }
0x67: {  	v53 =	vor.u32 s6, v5;
	v7 =	vld.idx.msk [tilespmem:v7+s13+$0x0], $0xffff;
	v6 =	vor.u32 v3, v6  }
0x68: {  	v6 =	vor.u32 v4, v6  }
0x69: {  	s6 =	sor.u32 $0xB, s0  }
0x6a: {  	s10 =	sshll.u32 s10, $0x7;
	s11 =	sshll.u32 s6, $0x4  }
0x6b: {  	s10 =	sand.u32 $0xC00, s10;
	v54 =	vmov s11  }
0x6c: {  	s10 =	sor.u32 $0x20, s10;
	[tilespmem:v53+s16+$0x0] =	vst.idx.msk $0xffff, v7;
	v7 =	vshll.u32 v54, $0x5  }
0x6d: {  	v55 =	vor.u32 s10, v5;
	v6 =	vld.idx.msk [tilespmem:v6+s13+$0x0], $0xffff;
	v7 =	vor.u32 v3, v7  }
0x6e: {  	v7 =	vor.u32 v4, v7  }
0x6f: {  	s10 =	sor.u32 $0xC, s0  }
0x70: {  	s6 =	sshll.u32 s6, $0x7;
	s11 =	sshll.u32 s10, $0x4  }
0x71: {  	s6 =	sand.u32 $0xC00, s6;
	v56 =	vmov s11  }
0x72: {  	s6 =	sor.u32 $0x30, s6;
	[tilespmem:v55+s16+$0x0] =	vst.idx.msk $0xffff, v6;
	v6 =	vshll.u32 v56, $0x5  }
0x73: {  	v57 =	vor.u32 s6, v5;
	v7 =	vld.idx.msk [tilespmem:v7+s13+$0x0], $0xffff;
	v6 =	vor.u32 v3, v6  }
0x74: {  	v6 =	vor.u32 v4, v6  }
0x75: {  	s6 =	sor.u32 $0xD, s0  }
0x76: {  	s10 =	sshll.u32 s10, $0x7;
	s11 =	sshll.u32 s6, $0x4  }
0x77: {  	s10 =	sand.u32 $0xC00, s10;
	v58 =	vmov s11  }
0x78: {  	s10 =	sor.u32 $0x40, s10;
	[tilespmem:v57+s16+$0x0] =	vst.idx.msk $0xffff, v7;
	v7 =	vshll.u32 v58, $0x5  }
0x79: {  	v59 =	vor.u32 s10, v5;
	v6 =	vld.idx.msk [tilespmem:v6+s13+$0x0], $0xffff;
	v7 =	vor.u32 v3, v7  }
0x7a: {  	v7 =	vor.u32 v4, v7  }
0x7b: {  	s10 =	sor.u32 $0xE, s0  }
0x7c: {  	s6 =	sshll.u32 s6, $0x7;
	s11 =	sshll.u32 s10, $0x4  }
0x7d: {  	s6 =	sand.u32 $0xC00, s6;
	v60 =	vmov s11  }
0x7e: {  	s6 =	sor.u32 $0x50, s6;
	[tilespmem:v59+s16+$0x0] =	vst.idx.msk $0xffff, v6;
	v6 =	vshll.u32 v60, $0x5  }
0x7f: {  	v61 =	vor.u32 s6, v5;
	v7 =	vld.idx.msk [tilespmem:v7+s13+$0x0], $0xffff;
	v6 =	vor.u32 v3, v6  }
0x80: {  	v6 =	vor.u32 v4, v6  }
0x81: {  	s0 =	sor.u32 $0xF, s0  }
0x82: {  	s10 =	sshll.u32 s10, $0x7;
	s11 =	sshll.u32 s0, $0x4  }
0x83: {  	s6 =	sand.u32 $0xC00, s10;
	v62 =	vmov s11  }
0x84: {  	s6 =	sor.u32 $0x60, s6;
	[tilespmem:v61+s16+$0x0] =	vst.idx.msk $0xffff, v7;
	v7 =	vshll.u32 v62, $0x5  }
0x85: {  	v63 =	vor.u32 s6, v5;
	v6 =	vld.idx.msk [tilespmem:v6+s13+$0x0], $0xffff;
	v7 =	vor.u32 v3, v7  }
0x86: {  	v7 =	vor.u32 v4, v7;
	_ =	sdelay $0x1  }
0x87: {  	s0 =	sshll.u32 s0, $0x7  }
0x88: {  	s0 =	sand.u32 $0xC00, s0  }
0x89: {  	s0 =	sor.u32 $0x70, s0;
	[tilespmem:v63+s16+$0x0] =	vst.idx.msk $0xffff, v6  }
0x8a: {  	p2 =	por p1, p1;
	v6 =	vld.idx.msk [tilespmem:v7+s13+$0x0], $0xffff;
	v7 =	vor.u32 s0, v5  }
.Ltmp0:
0x8b: {  	_ = 	snop;
	(pc) =	sbr.rel @p2 .LBB2_4-.Ltmp0, $2  }
0x8c: {  	_ =	sdelay $0x2  }
0x8d: {  	p1 =	por $0x0, $0x0;
	s0 =	simm.s32 $0x10;
	[tilespmem:v7+s16+$0x0] =	vst.idx.msk $0xffff, v6  }
0x8e: {  	s0 =	sor.u32 $0x1, s1  }
0x8f: {  	v4 =	vadd.s32 s0, v0  }
0x90: {  	v5 =	vshll.u32 v4, $0x9;
	v6 =	vshll.u32 v4, $0x7  }
0x91: {  	v5 =	vand.u32 $0x3000, v5;
	v6 =	vand.u32 $0x380, v6  }
0x92: {  	v5 =	vor.u32 v5, v6  }
0x93: {  	v5 =	vor.u32 v2, v5  }
0x94: {  	p1 =	por $0x1, $0x1;
	s0 =	simm.s32 $0x0;
	v4 =	vand.u32 $0x1F, v4;
	v5 =	vor.u32 v1, v5  }
.LBB2_6:
0x95: {  	s10 =	sshll.u32 s0, $0x4  }
0x96: {  	v6 =	vmov s10  }
0x97: {  	v6 =	vshll.u32 v6, $0x5  }
0x98: {  	v6 =	vor.u32 v3, v6  }
0x99: {  	v6 =	vor.u32 v4, v6;
	_ =	sdelay $0x1  }
0x9a: {  	s6 =	sor.u32 $0x10, s10  }
0x9b: {  	v7 =	vmov s6  }
0x9c: {  	s6 =	sshll.u32 s0, $0x7;
	v7 =	vshll.u32 v7, $0x5  }
0x9d: {  	v8 =	vor.u32 s6, v5;
	v7 =	vor.u32 v3, v7;
	v6 =	vld.idx.msk [tilespmem:v6+s13+$0x0], $0xffff  }
0x9e: {  	v7 =	vor.u32 v4, v7;
	_ =	sdelay $0x1  }
0x9f: {  	s11 =	sor.u32 $0x20, s10  }
0xa0: {  	v9 =	vmov s11  }
0xa1: {  	s11 =	sor.u32 $0x10, s6;
	[tilespmem:v8+s16+$0x0] =	vst.idx.msk $0xffff, v6;
	v6 =	vshll.u32 v9, $0x5  }
0xa2: {  	v37 =	vor.u32 s11, v5;
	v7 =	vld.idx.msk [tilespmem:v7+s13+$0x0], $0xffff;
	v6 =	vor.u32 v3, v6  }
0xa3: {  	v6 =	vor.u32 v4, v6;
	_ =	sdelay $0x1  }
0xa4: {  	s11 =	sor.u32 $0x30, s10  }
0xa5: {  	v38 =	vmov s11  }
0xa6: {  	s11 =	sor.u32 $0x20, s6;
	[tilespmem:v37+s16+$0x0] =	vst.idx.msk $0xffff, v7;
	v7 =	vshll.u32 v38, $0x5  }
0xa7: {  	v39 =	vor.u32 s11, v5;
	v6 =	vld.idx.msk [tilespmem:v6+s13+$0x0], $0xffff;
	v7 =	vor.u32 v3, v7  }
0xa8: {  	v7 =	vor.u32 v4, v7;
	_ =	sdelay $0x1  }
0xa9: {  	s11 =	sor.u32 $0x40, s10  }
0xaa: {  	v40 =	vmov s11  }
0xab: {  	s11 =	sor.u32 $0x30, s6;
	[tilespmem:v39+s16+$0x0] =	vst.idx.msk $0xffff, v6;
	v6 =	vshll.u32 v40, $0x5  }
0xac: {  	v41 =	vor.u32 s11, v5;
	v7 =	vld.idx.msk [tilespmem:v7+s13+$0x0], $0xffff;
	v6 =	vor.u32 v3, v6  }
0xad: {  	v6 =	vor.u32 v4, v6;
	_ =	sdelay $0x1  }
0xae: {  	s11 =	sor.u32 $0x50, s10  }
0xaf: {  	v42 =	vmov s11  }
0xb0: {  	s11 =	sor.u32 $0x40, s6;
	[tilespmem:v41+s16+$0x0] =	vst.idx.msk $0xffff, v7;
	v7 =	vshll.u32 v42, $0x5  }
0xb1: {  	v43 =	vor.u32 s11, v5;
	v6 =	vld.idx.msk [tilespmem:v6+s13+$0x0], $0xffff;
	v7 =	vor.u32 v3, v7  }
0xb2: {  	v7 =	vor.u32 v4, v7;
	_ =	sdelay $0x1  }
0xb3: {  	s11 =	sor.u32 $0x60, s10  }
0xb4: {  	v44 =	vmov s11  }
0xb5: {  	s11 =	sor.u32 $0x50, s6;
	[tilespmem:v43+s16+$0x0] =	vst.idx.msk $0xffff, v6;
	v6 =	vshll.u32 v44, $0x5  }
0xb6: {  	v45 =	vor.u32 s11, v5;
	v7 =	vld.idx.msk [tilespmem:v7+s13+$0x0], $0xffff;
	v6 =	vor.u32 v3, v6  }
0xb7: {  	v6 =	vor.u32 v4, v6;
	_ =	sdelay $0x1  }
0xb8: {  	s10 =	sor.u32 $0x70, s10  }
0xb9: {  	v46 =	vmov s10  }
0xba: {  	s11 =	sor.u32 $0x60, s6;
	[tilespmem:v45+s16+$0x0] =	vst.idx.msk $0xffff, v7;
	v7 =	vshll.u32 v46, $0x5  }
0xbb: {  	v47 =	vor.u32 s11, v5;
	v6 =	vld.idx.msk [tilespmem:v6+s13+$0x0], $0xffff;
	v7 =	vor.u32 v3, v7  }
0xbc: {  	v7 =	vor.u32 v4, v7  }
0xbd: {  	s10 =	sor.u32 $0x8, s0  }
0xbe: {  	s11 =	sshll.u32 s10, $0x4  }
0xbf: {  	v48 =	vmov s11  }
0xc0: {  	s6 =	sor.u32 $0x70, s6;
	[tilespmem:v47+s16+$0x0] =	vst.idx.msk $0xffff, v6;
	v6 =	vshll.u32 v48, $0x5  }
0xc1: {  	v49 =	vor.u32 s6, v5;
	v7 =	vld.idx.msk [tilespmem:v7+s13+$0x0], $0xffff;
	v6 =	vor.u32 v3, v6  }
0xc2: {  	v6 =	vor.u32 v4, v6  }
0xc3: {  	s6 =	sor.u32 $0x9, s0  }
0xc4: {  	s11 =	sshll.u32 s6, $0x4  }
0xc5: {  	v50 =	vmov s11  }
0xc6: {  	s10 =	sshll.u32 s10, $0x7;
	[tilespmem:v49+s16+$0x0] =	vst.idx.msk $0xffff, v7;
	v7 =	vshll.u32 v50, $0x5  }
0xc7: {  	v51 =	vor.u32 s10, v5;
	v6 =	vld.idx.msk [tilespmem:v6+s13+$0x0], $0xffff;
	v7 =	vor.u32 v3, v7  }
0xc8: {  	v7 =	vor.u32 v4, v7  }
0xc9: {  	s10 =	sor.u32 $0xA, s0  }
0xca: {  	s6 =	sshll.u32 s6, $0x7;
	s11 =	sshll.u32 s10, $0x4  }
0xcb: {  	s6 =	sand.u32 $0xC00, s6;
	v52 =	vmov s11  }
0xcc: {  	s6 =	sor.u32 $0x10, s6;
	[tilespmem:v51+s16+$0x0] =	vst.idx.msk $0xffff, v6;
	v6 =	vshll.u32 v52, $0x5  }
0xcd: {  	v53 =	vor.u32 s6, v5;
	v7 =	vld.idx.msk [tilespmem:v7+s13+$0x0], $0xffff;
	v6 =	vor.u32 v3, v6  }
0xce: {  	v6 =	vor.u32 v4, v6  }
0xcf: {  	s6 =	sor.u32 $0xB, s0  }
0xd0: {  	s10 =	sshll.u32 s10, $0x7;
	s11 =	sshll.u32 s6, $0x4  }
0xd1: {  	s10 =	sand.u32 $0xC00, s10;
	v54 =	vmov s11  }
0xd2: {  	s10 =	sor.u32 $0x20, s10;
	[tilespmem:v53+s16+$0x0] =	vst.idx.msk $0xffff, v7;
	v7 =	vshll.u32 v54, $0x5  }
0xd3: {  	v55 =	vor.u32 s10, v5;
	v6 =	vld.idx.msk [tilespmem:v6+s13+$0x0], $0xffff;
	v7 =	vor.u32 v3, v7  }
0xd4: {  	v7 =	vor.u32 v4, v7  }
0xd5: {  	s10 =	sor.u32 $0xC, s0  }
0xd6: {  	s6 =	sshll.u32 s6, $0x7;
	s11 =	sshll.u32 s10, $0x4  }
0xd7: {  	s6 =	sand.u32 $0xC00, s6;
	v56 =	vmov s11  }
0xd8: {  	s6 =	sor.u32 $0x30, s6;
	[tilespmem:v55+s16+$0x0] =	vst.idx.msk $0xffff, v6;
	v6 =	vshll.u32 v56, $0x5  }
0xd9: {  	v57 =	vor.u32 s6, v5;
	v7 =	vld.idx.msk [tilespmem:v7+s13+$0x0], $0xffff;
	v6 =	vor.u32 v3, v6  }
0xda: {  	v6 =	vor.u32 v4, v6  }
0xdb: {  	s6 =	sor.u32 $0xD, s0  }
0xdc: {  	s10 =	sshll.u32 s10, $0x7;
	s11 =	sshll.u32 s6, $0x4  }
0xdd: {  	s10 =	sand.u32 $0xC00, s10;
	v58 =	vmov s11  }
0xde: {  	s10 =	sor.u32 $0x40, s10;
	[tilespmem:v57+s16+$0x0] =	vst.idx.msk $0xffff, v7;
	v7 =	vshll.u32 v58, $0x5  }
0xdf: {  	v59 =	vor.u32 s10, v5;
	v6 =	vld.idx.msk [tilespmem:v6+s13+$0x0], $0xffff;
	v7 =	vor.u32 v3, v7  }
0xe0: {  	v7 =	vor.u32 v4, v7  }
0xe1: {  	s10 =	sor.u32 $0xE, s0  }
0xe2: {  	s6 =	sshll.u32 s6, $0x7;
	s11 =	sshll.u32 s10, $0x4  }
0xe3: {  	s6 =	sand.u32 $0xC00, s6;
	v60 =	vmov s11  }
0xe4: {  	s6 =	sor.u32 $0x50, s6;
	[tilespmem:v59+s16+$0x0] =	vst.idx.msk $0xffff, v6;
	v6 =	vshll.u32 v60, $0x5  }
0xe5: {  	v61 =	vor.u32 s6, v5;
	v7 =	vld.idx.msk [tilespmem:v7+s13+$0x0], $0xffff;
	v6 =	vor.u32 v3, v6  }
0xe6: {  	v6 =	vor.u32 v4, v6  }
0xe7: {  	s0 =	sor.u32 $0xF, s0  }
0xe8: {  	s10 =	sshll.u32 s10, $0x7;
	s11 =	sshll.u32 s0, $0x4  }
0xe9: {  	s6 =	sand.u32 $0xC00, s10;
	v62 =	vmov s11  }
0xea: {  	s6 =	sor.u32 $0x60, s6;
	[tilespmem:v61+s16+$0x0] =	vst.idx.msk $0xffff, v7;
	v7 =	vshll.u32 v62, $0x5  }
0xeb: {  	v63 =	vor.u32 s6, v5;
	v6 =	vld.idx.msk [tilespmem:v6+s13+$0x0], $0xffff;
	v7 =	vor.u32 v3, v7  }
0xec: {  	v7 =	vor.u32 v4, v7;
	_ =	sdelay $0x1  }
0xed: {  	s0 =	sshll.u32 s0, $0x7  }
0xee: {  	s0 =	sand.u32 $0xC00, s0  }
0xef: {  	s0 =	sor.u32 $0x70, s0;
	[tilespmem:v63+s16+$0x0] =	vst.idx.msk $0xffff, v6  }
0xf0: {  	p2 =	por p1, p1;
	v6 =	vld.idx.msk [tilespmem:v7+s13+$0x0], $0xffff;
	v7 =	vor.u32 s0, v5  }
.Ltmp1:
0xf1: {  	_ = 	snop;
	(pc) =	sbr.rel @p2 .LBB2_6-.Ltmp1, $2  }
0xf2: {  	_ =	sdelay $0x2  }
0xf3: {  	p1 =	por $0x0, $0x0;
	s0 =	simm.s32 $0x10;
	[tilespmem:v7+s16+$0x0] =	vst.idx.msk $0xffff, v6  }
0xf4: {  	p1 =	slt.u32 s1, $0x1E  }
.Ltmp2:
0xf5: {  	_ = 	snop;
	(pc) =	sbr.rel @p1 .LBB2_3-.Ltmp2, $3  }
0xf6: {  	_ =	sdelay $0x1  }
0xf7: {  	s0 =	sadd.s32 $0x2, s1  }
0xf8: {  	s1 =	smov.u32 s0  }
0xf9: {  	s0 =	sadd.s32 s5, s31  }
0xfa: {  	s1 =	sshll.u32 s0, $0xB;
	s0 =	sshll.u32 s0, $0x9  }
0xfb: {  	s1 =	sand.u32 $0xFFF0000, s1;
	s0 =	sand.u32 $0x3C00, s0  }
0xfc: {  	s0 =	sor.u32 s0, s1  }
0xfd: {  	s1 =	sadd.s32 s2, s0  }
0xfe: {  	[hbm4b:s1+s3] =	stream.linear.scatter [tilespmem:s16], [sflag:$0x3], $0x1000, $0x38;
	[tilespmem:$0x16400] =	vst v63  }
0xff: {  	p1 =	sne.s32 s29, $0x18;
	s11 =	sadd.s32 s0, s7  }
0x100: {  	[hbm4b:s11+s3] =	stream.linear.scatter [tilespmem:s17], [sflag:$0x3], $0x1000, $0x38;
	[tilespmem:$0x16400] =	vst v63  }
.Ltmp3:
0x101: {  	_ = 	snop;
	(pc) =	sbr.rel @p1 .LBB2_10-.Ltmp3, $4  }
0x102: {  	s31 =	sadd.s32 s0, s8  }
0x103: {  	[hbm4b:s31+s3] =	stream.linear.scatter [tilespmem:s18], [sflag:$0x3], $0x1000, $0x38;
	[tilespmem:$0x16400] =	vst v63  }
0x104: {  	s0 =	sadd.s32 s0, s9  }
0x105: {  	[hbm4b:s0+s3] =	stream.linear.scatter [tilespmem:s19], [sflag:$0x3], $0x1000, $0x38;
	[tilespmem:$0x16400] =	vst v63  }
.Ltmp4:
0x106: {  	(pc) =	sbr.rel .LBB2_11-.Ltmp4, $4  }
0x107: {  	_ = 	snop  }
0x108: {  	_ =	swait.ge [sflag:s20], $0x4000  }
0x109: {  	[sflag:s20] =	ssyncset.done $0x0  }
0x10a: {  	[sflag:s20] =	ssyncadd.s32 $0xFFFFC000  }
.LBB2_10:
0x10b: {  	s0 =	sshll.u32 s29, $0xA  }
0x10c: {  	s0 =	sand.u32 $0x3FFFFC00, s0  }
.Ltmp5:
0x10d: {  	s0 =	sadd.s32 $0x400, s0;
	(pc) =	sbr.rel @p0 .LBB2_12-.Ltmp5, $4  }
0x10e: {  	[tilespmem:s13], [sflag:$0x1] =	stream.indirect.gather [hbm4b:s4+s12], $0x20, s0, s12, $0xb8;
	[tilespmem:$0x16400] =	vst v63  }
0x10f: {  	_ =	swait.ge [sflag:s20], $0x4000  }
0x110: {  	[sflag:s20] =	ssyncset.done $0x0  }
0x111: {  	[sflag:s20] =	ssyncadd.s32 $0xFFFFC000  }
.LBB2_11:
0x112: {  	_ =	swait.ge [sflag:s21], $0x1000  }
0x113: {  	[sflag:s21] =	ssyncset.done $0x0  }
0x114: {  	[sflag:s21] =	ssyncadd.s32 $0xFFFFF000  }
0x115: {  	_ =	swait.ge [sflag:s21], $0x1000  }
0x116: {  	[sflag:s21] =	ssyncset.done $0x0  }
0x117: {  	[sflag:s21] =	ssyncadd.s32 $0xFFFFF000  }
0x118: {  	_ =	swait.ge [sflag:s21], $0x1000  }
0x119: {  	[sflag:s21] =	ssyncset.done $0x0  }
0x11a: {  	[sflag:s21] =	ssyncadd.s32 $0xFFFFF000  }
0x11b: {  	_ =	swait.ge [sflag:s21], $0x1000  }
0x11c: {  	[sflag:s21] =	ssyncset.done $0x0  }
0x11d: {  	[sflag:s21] =	ssyncadd.s32 $0xFFFFF000  }
.LBB2_12:
0x11e: {  	s1 =	simm.s32 $0x0  }
.LBB2_13:
0x11f: {  	v4 =	vadd.s32 s1, v0  }
0x120: {  	v5 =	vshll.u32 v4, $0x9;
	v6 =	vshll.u32 v4, $0x7  }
0x121: {  	v5 =	vand.u32 $0x3000, v5;
	v6 =	vand.u32 $0x380, v6  }
0x122: {  	v5 =	vor.u32 v5, v6  }
0x123: {  	v5 =	vor.u32 v2, v5  }
0x124: {  	p0 =	por $0x1, $0x1;
	s0 =	simm.s32 $0x0;
	v4 =	vand.u32 $0x1F, v4;
	v5 =	vor.u32 v1, v5  }
.LBB2_14:
0x125: {  	s10 =	sshll.u32 s0, $0x4  }
0x126: {  	v6 =	vmov s10  }
0x127: {  	v6 =	vshll.u32 v6, $0x5  }
0x128: {  	v6 =	vor.u32 v3, v6  }
0x129: {  	v6 =	vor.u32 v4, v6;
	_ =	sdelay $0x1  }
0x12a: {  	s6 =	sor.u32 $0x10, s10  }
0x12b: {  	v7 =	vmov s6  }
0x12c: {  	s6 =	sshll.u32 s0, $0x7;
	v7 =	vshll.u32 v7, $0x5  }
0x12d: {  	v8 =	vor.u32 s6, v5;
	v7 =	vor.u32 v3, v7;
	v6 =	vld.idx.msk [tilespmem:v6+s14+$0x0], $0xffff  }
0x12e: {  	v7 =	vor.u32 v4, v7;
	_ =	sdelay $0x1  }
0x12f: {  	s11 =	sor.u32 $0x20, s10  }
0x130: {  	v9 =	vmov s11  }
0x131: {  	s31 =	sor.u32 $0x10, s6;
	[tilespmem:v8+s22+$0x0] =	vst.idx.msk $0xffff, v6;
	v6 =	vshll.u32 v9, $0x5  }
0x132: {  	v37 =	vor.u32 s31, v5;
	v7 =	vld.idx.msk [tilespmem:v7+s14+$0x0], $0xffff;
	v6 =	vor.u32 v3, v6  }
0x133: {  	v6 =	vor.u32 v4, v6;
	_ =	sdelay $0x1  }
0x134: {  	s31 =	sor.u32 $0x30, s10  }
0x135: {  	v38 =	vmov s31  }
0x136: {  	s31 =	sor.u32 $0x20, s6;
	[tilespmem:v37+s22+$0x0] =	vst.idx.msk $0xffff, v7;
	v7 =	vshll.u32 v38, $0x5  }
0x137: {  	v39 =	vor.u32 s31, v5;
	v6 =	vld.idx.msk [tilespmem:v6+s14+$0x0], $0xffff;
	v7 =	vor.u32 v3, v7  }
0x138: {  	v7 =	vor.u32 v4, v7;
	_ =	sdelay $0x1  }
0x139: {  	s31 =	sor.u32 $0x40, s10  }
0x13a: {  	v40 =	vmov s31  }
0x13b: {  	s31 =	sor.u32 $0x30, s6;
	[tilespmem:v39+s22+$0x0] =	vst.idx.msk $0xffff, v6;
	v6 =	vshll.u32 v40, $0x5  }
0x13c: {  	v41 =	vor.u32 s31, v5;
	v7 =	vld.idx.msk [tilespmem:v7+s14+$0x0], $0xffff;
	v6 =	vor.u32 v3, v6  }
0x13d: {  	v6 =	vor.u32 v4, v6;
	_ =	sdelay $0x1  }
0x13e: {  	s31 =	sor.u32 $0x50, s10  }
0x13f: {  	v42 =	vmov s31  }
0x140: {  	s31 =	sor.u32 $0x40, s6;
	[tilespmem:v41+s22+$0x0] =	vst.idx.msk $0xffff, v7;
	v7 =	vshll.u32 v42, $0x5  }
0x141: {  	v43 =	vor.u32 s31, v5;
	v6 =	vld.idx.msk [tilespmem:v6+s14+$0x0], $0xffff;
	v7 =	vor.u32 v3, v7  }
0x142: {  	v7 =	vor.u32 v4, v7;
	_ =	sdelay $0x1  }
0x143: {  	s31 =	sor.u32 $0x60, s10  }
0x144: {  	v44 =	vmov s31  }
0x145: {  	s31 =	sor.u32 $0x50, s6;
	[tilespmem:v43+s22+$0x0] =	vst.idx.msk $0xffff, v6;
	v6 =	vshll.u32 v44, $0x5  }
0x146: {  	v45 =	vor.u32 s31, v5;
	v7 =	vld.idx.msk [tilespmem:v7+s14+$0x0], $0xffff;
	v6 =	vor.u32 v3, v6  }
0x147: {  	v6 =	vor.u32 v4, v6;
	_ =	sdelay $0x1  }
0x148: {  	s10 =	sor.u32 $0x70, s10  }
0x149: {  	v46 =	vmov s10  }
0x14a: {  	s11 =	sor.u32 $0x60, s6;
	[tilespmem:v45+s22+$0x0] =	vst.idx.msk $0xffff, v7;
	v7 =	vshll.u32 v46, $0x5  }
0x14b: {  	v47 =	vor.u32 s11, v5;
	v6 =	vld.idx.msk [tilespmem:v6+s14+$0x0], $0xffff;
	v7 =	vor.u32 v3, v7  }
0x14c: {  	v7 =	vor.u32 v4, v7  }
0x14d: {  	s10 =	sor.u32 $0x8, s0  }
0x14e: {  	s31 =	sshll.u32 s10, $0x4  }
0x14f: {  	v48 =	vmov s31  }
0x150: {  	s6 =	sor.u32 $0x70, s6;
	[tilespmem:v47+s22+$0x0] =	vst.idx.msk $0xffff, v6;
	v6 =	vshll.u32 v48, $0x5  }
0x151: {  	v49 =	vor.u32 s6, v5;
	v7 =	vld.idx.msk [tilespmem:v7+s14+$0x0], $0xffff;
	v6 =	vor.u32 v3, v6  }
0x152: {  	v6 =	vor.u32 v4, v6  }
0x153: {  	s6 =	sor.u32 $0x9, s0  }
0x154: {  	s31 =	sshll.u32 s6, $0x4  }
0x155: {  	v50 =	vmov s31  }
0x156: {  	s10 =	sshll.u32 s10, $0x7;
	[tilespmem:v49+s22+$0x0] =	vst.idx.msk $0xffff, v7;
	v7 =	vshll.u32 v50, $0x5  }
0x157: {  	v51 =	vor.u32 s10, v5;
	v6 =	vld.idx.msk [tilespmem:v6+s14+$0x0], $0xffff;
	v7 =	vor.u32 v3, v7  }
0x158: {  	v7 =	vor.u32 v4, v7  }
0x159: {  	s10 =	sor.u32 $0xA, s0  }
0x15a: {  	s6 =	sshll.u32 s6, $0x7;
	s31 =	sshll.u32 s10, $0x4  }
0x15b: {  	s6 =	sand.u32 $0xC00, s6;
	v52 =	vmov s31  }
0x15c: {  	s6 =	sor.u32 $0x10, s6;
	[tilespmem:v51+s22+$0x0] =	vst.idx.msk $0xffff, v6;
	v6 =	vshll.u32 v52, $0x5  }
0x15d: {  	v53 =	vor.u32 s6, v5;
	v7 =	vld.idx.msk [tilespmem:v7+s14+$0x0], $0xffff;
	v6 =	vor.u32 v3, v6  }
0x15e: {  	v6 =	vor.u32 v4, v6  }
0x15f: {  	s6 =	sor.u32 $0xB, s0  }
0x160: {  	s10 =	sshll.u32 s10, $0x7;
	s31 =	sshll.u32 s6, $0x4  }
0x161: {  	s10 =	sand.u32 $0xC00, s10;
	v54 =	vmov s31  }
0x162: {  	s10 =	sor.u32 $0x20, s10;
	[tilespmem:v53+s22+$0x0] =	vst.idx.msk $0xffff, v7;
	v7 =	vshll.u32 v54, $0x5  }
0x163: {  	v55 =	vor.u32 s10, v5;
	v6 =	vld.idx.msk [tilespmem:v6+s14+$0x0], $0xffff;
	v7 =	vor.u32 v3, v7  }
0x164: {  	v7 =	vor.u32 v4, v7  }
0x165: {  	s10 =	sor.u32 $0xC, s0  }
0x166: {  	s6 =	sshll.u32 s6, $0x7;
	s31 =	sshll.u32 s10, $0x4  }
0x167: {  	s6 =	sand.u32 $0xC00, s6;
	v56 =	vmov s31  }
0x168: {  	s6 =	sor.u32 $0x30, s6;
	[tilespmem:v55+s22+$0x0] =	vst.idx.msk $0xffff, v6;
	v6 =	vshll.u32 v56, $0x5  }
0x169: {  	v57 =	vor.u32 s6, v5;
	v7 =	vld.idx.msk [tilespmem:v7+s14+$0x0], $0xffff;
	v6 =	vor.u32 v3, v6  }
0x16a: {  	v6 =	vor.u32 v4, v6  }
0x16b: {  	s6 =	sor.u32 $0xD, s0  }
0x16c: {  	s10 =	sshll.u32 s10, $0x7;
	s31 =	sshll.u32 s6, $0x4  }
0x16d: {  	s10 =	sand.u32 $0xC00, s10;
	v58 =	vmov s31  }
0x16e: {  	s10 =	sor.u32 $0x40, s10;
	[tilespmem:v57+s22+$0x0] =	vst.idx.msk $0xffff, v7;
	v7 =	vshll.u32 v58, $0x5  }
0x16f: {  	v59 =	vor.u32 s10, v5;
	v6 =	vld.idx.msk [tilespmem:v6+s14+$0x0], $0xffff;
	v7 =	vor.u32 v3, v7  }
0x170: {  	v7 =	vor.u32 v4, v7  }
0x171: {  	s10 =	sor.u32 $0xE, s0  }
0x172: {  	s6 =	sshll.u32 s6, $0x7;
	s31 =	sshll.u32 s10, $0x4  }
0x173: {  	s6 =	sand.u32 $0xC00, s6;
	v60 =	vmov s31  }
0x174: {  	s6 =	sor.u32 $0x50, s6;
	[tilespmem:v59+s22+$0x0] =	vst.idx.msk $0xffff, v6;
	v6 =	vshll.u32 v60, $0x5  }
0x175: {  	v61 =	vor.u32 s6, v5;
	v7 =	vld.idx.msk [tilespmem:v7+s14+$0x0], $0xffff;
	v6 =	vor.u32 v3, v6  }
0x176: {  	v6 =	vor.u32 v4, v6  }
0x177: {  	s0 =	sor.u32 $0xF, s0  }
0x178: {  	s11 =	sshll.u32 s10, $0x7;
	s31 =	sshll.u32 s0, $0x4  }
0x179: {  	s6 =	sand.u32 $0xC00, s11;
	v62 =	vmov s31  }
0x17a: {  	s6 =	sor.u32 $0x60, s6;
	[tilespmem:v61+s22+$0x0] =	vst.idx.msk $0xffff, v7;
	v7 =	vshll.u32 v62, $0x5  }
0x17b: {  	v63 =	vor.u32 s6, v5;
	v6 =	vld.idx.msk [tilespmem:v6+s14+$0x0], $0xffff;
	v7 =	vor.u32 v3, v7  }
0x17c: {  	v7 =	vor.u32 v4, v7;
	_ =	sdelay $0x1  }
0x17d: {  	s0 =	sshll.u32 s0, $0x7  }
0x17e: {  	s0 =	sand.u32 $0xC00, s0  }
0x17f: {  	s0 =	sor.u32 $0x70, s0;
	[tilespmem:v63+s22+$0x0] =	vst.idx.msk $0xffff, v6  }
0x180: {  	p1 =	por p0, p0;
	v6 =	vld.idx.msk [tilespmem:v7+s14+$0x0], $0xffff;
	v7 =	vor.u32 s0, v5  }
.Ltmp6:
0x181: {  	_ = 	snop;
	(pc) =	sbr.rel @p1 .LBB2_14-.Ltmp6, $2  }
0x182: {  	_ =	sdelay $0x2  }
0x183: {  	p0 =	por $0x0, $0x0;
	s0 =	simm.s32 $0x10;
	[tilespmem:v7+s22+$0x0] =	vst.idx.msk $0xffff, v6  }
0x184: {  	s0 =	sor.u32 $0x1, s1  }
0x185: {  	v4 =	vadd.s32 s0, v0  }
0x186: {  	v5 =	vshll.u32 v4, $0x9;
	v6 =	vshll.u32 v4, $0x7  }
0x187: {  	v5 =	vand.u32 $0x3000, v5;
	v6 =	vand.u32 $0x380, v6  }
0x188: {  	v5 =	vor.u32 v5, v6  }
0x189: {  	v5 =	vor.u32 v2, v5  }
0x18a: {  	p0 =	por $0x1, $0x1;
	s0 =	simm.s32 $0x0;
	v4 =	vand.u32 $0x1F, v4;
	v5 =	vor.u32 v1, v5  }
.LBB2_16:
0x18b: {  	s10 =	sshll.u32 s0, $0x4  }
0x18c: {  	v6 =	vmov s10  }
0x18d: {  	v6 =	vshll.u32 v6, $0x5  }
0x18e: {  	v6 =	vor.u32 v3, v6  }
0x18f: {  	v6 =	vor.u32 v4, v6;
	_ =	sdelay $0x1  }
0x190: {  	s6 =	sor.u32 $0x10, s10  }
0x191: {  	v7 =	vmov s6  }
0x192: {  	s6 =	sshll.u32 s0, $0x7;
	v7 =	vshll.u32 v7, $0x5  }
0x193: {  	v8 =	vor.u32 s6, v5;
	v7 =	vor.u32 v3, v7;
	v6 =	vld.idx.msk [tilespmem:v6+s14+$0x0], $0xffff  }
0x194: {  	v7 =	vor.u32 v4, v7;
	_ =	sdelay $0x1  }
0x195: {  	s11 =	sor.u32 $0x20, s10  }
0x196: {  	v9 =	vmov s11  }
0x197: {  	s31 =	sor.u32 $0x10, s6;
	[tilespmem:v8+s22+$0x0] =	vst.idx.msk $0xffff, v6;
	v6 =	vshll.u32 v9, $0x5  }
0x198: {  	v37 =	vor.u32 s31, v5;
	v7 =	vld.idx.msk [tilespmem:v7+s14+$0x0], $0xffff;
	v6 =	vor.u32 v3, v6  }
0x199: {  	v6 =	vor.u32 v4, v6;
	_ =	sdelay $0x1  }
0x19a: {  	s31 =	sor.u32 $0x30, s10  }
0x19b: {  	v38 =	vmov s31  }
0x19c: {  	s31 =	sor.u32 $0x20, s6;
	[tilespmem:v37+s22+$0x0] =	vst.idx.msk $0xffff, v7;
	v7 =	vshll.u32 v38, $0x5  }
0x19d: {  	v39 =	vor.u32 s31, v5;
	v6 =	vld.idx.msk [tilespmem:v6+s14+$0x0], $0xffff;
	v7 =	vor.u32 v3, v7  }
0x19e: {  	v7 =	vor.u32 v4, v7;
	_ =	sdelay $0x1  }
0x19f: {  	s31 =	sor.u32 $0x40, s10  }
0x1a0: {  	v40 =	vmov s31  }
0x1a1: {  	s31 =	sor.u32 $0x30, s6;
	[tilespmem:v39+s22+$0x0] =	vst.idx.msk $0xffff, v6;
	v6 =	vshll.u32 v40, $0x5  }
0x1a2: {  	v41 =	vor.u32 s31, v5;
	v7 =	vld.idx.msk [tilespmem:v7+s14+$0x0], $0xffff;
	v6 =	vor.u32 v3, v6  }
0x1a3: {  	v6 =	vor.u32 v4, v6;
	_ =	sdelay $0x1  }
0x1a4: {  	s31 =	sor.u32 $0x50, s10  }
0x1a5: {  	v42 =	vmov s31  }
0x1a6: {  	s31 =	sor.u32 $0x40, s6;
	[tilespmem:v41+s22+$0x0] =	vst.idx.msk $0xffff, v7;
	v7 =	vshll.u32 v42, $0x5  }
0x1a7: {  	v43 =	vor.u32 s31, v5;
	v6 =	vld.idx.msk [tilespmem:v6+s14+$0x0], $0xffff;
	v7 =	vor.u32 v3, v7  }
0x1a8: {  	v7 =	vor.u32 v4, v7;
	_ =	sdelay $0x1  }
0x1a9: {  	s31 =	sor.u32 $0x60, s10  }
0x1aa: {  	v44 =	vmov s31  }
0x1ab: {  	s31 =	sor.u32 $0x50, s6;
	[tilespmem:v43+s22+$0x0] =	vst.idx.msk $0xffff, v6;
	v6 =	vshll.u32 v44, $0x5  }
0x1ac: {  	v45 =	vor.u32 s31, v5;
	v7 =	vld.idx.msk [tilespmem:v7+s14+$0x0], $0xffff;
	v6 =	vor.u32 v3, v6  }
0x1ad: {  	v6 =	vor.u32 v4, v6;
	_ =	sdelay $0x1  }
0x1ae: {  	s10 =	sor.u32 $0x70, s10  }
0x1af: {  	v46 =	vmov s10  }
0x1b0: {  	s11 =	sor.u32 $0x60, s6;
	[tilespmem:v45+s22+$0x0] =	vst.idx.msk $0xffff, v7;
	v7 =	vshll.u32 v46, $0x5  }
0x1b1: {  	v47 =	vor.u32 s11, v5;
	v6 =	vld.idx.msk [tilespmem:v6+s14+$0x0], $0xffff;
	v7 =	vor.u32 v3, v7  }
0x1b2: {  	v7 =	vor.u32 v4, v7  }
0x1b3: {  	s10 =	sor.u32 $0x8, s0  }
0x1b4: {  	s31 =	sshll.u32 s10, $0x4  }
0x1b5: {  	v48 =	vmov s31  }
0x1b6: {  	s6 =	sor.u32 $0x70, s6;
	[tilespmem:v47+s22+$0x0] =	vst.idx.msk $0xffff, v6;
	v6 =	vshll.u32 v48, $0x5  }
0x1b7: {  	v49 =	vor.u32 s6, v5;
	v7 =	vld.idx.msk [tilespmem:v7+s14+$0x0], $0xffff;
	v6 =	vor.u32 v3, v6  }
0x1b8: {  	v6 =	vor.u32 v4, v6  }
0x1b9: {  	s6 =	sor.u32 $0x9, s0  }
0x1ba: {  	s31 =	sshll.u32 s6, $0x4  }
0x1bb: {  	v50 =	vmov s31  }
0x1bc: {  	s10 =	sshll.u32 s10, $0x7;
	[tilespmem:v49+s22+$0x0] =	vst.idx.msk $0xffff, v7;
	v7 =	vshll.u32 v50, $0x5  }
0x1bd: {  	v51 =	vor.u32 s10, v5;
	v6 =	vld.idx.msk [tilespmem:v6+s14+$0x0], $0xffff;
	v7 =	vor.u32 v3, v7  }
0x1be: {  	v7 =	vor.u32 v4, v7  }
0x1bf: {  	s10 =	sor.u32 $0xA, s0  }
0x1c0: {  	s6 =	sshll.u32 s6, $0x7;
	s31 =	sshll.u32 s10, $0x4  }
0x1c1: {  	s6 =	sand.u32 $0xC00, s6;
	v52 =	vmov s31  }
0x1c2: {  	s6 =	sor.u32 $0x10, s6;
	[tilespmem:v51+s22+$0x0] =	vst.idx.msk $0xffff, v6;
	v6 =	vshll.u32 v52, $0x5  }
0x1c3: {  	v53 =	vor.u32 s6, v5;
	v7 =	vld.idx.msk [tilespmem:v7+s14+$0x0], $0xffff;
	v6 =	vor.u32 v3, v6  }
0x1c4: {  	v6 =	vor.u32 v4, v6  }
0x1c5: {  	s6 =	sor.u32 $0xB, s0  }
0x1c6: {  	s10 =	sshll.u32 s10, $0x7;
	s31 =	sshll.u32 s6, $0x4  }
0x1c7: {  	s10 =	sand.u32 $0xC00, s10;
	v54 =	vmov s31  }
0x1c8: {  	s10 =	sor.u32 $0x20, s10;
	[tilespmem:v53+s22+$0x0] =	vst.idx.msk $0xffff, v7;
	v7 =	vshll.u32 v54, $0x5  }
0x1c9: {  	v55 =	vor.u32 s10, v5;
	v6 =	vld.idx.msk [tilespmem:v6+s14+$0x0], $0xffff;
	v7 =	vor.u32 v3, v7  }
0x1ca: {  	v7 =	vor.u32 v4, v7  }
0x1cb: {  	s10 =	sor.u32 $0xC, s0  }
0x1cc: {  	s6 =	sshll.u32 s6, $0x7;
	s31 =	sshll.u32 s10, $0x4  }
0x1cd: {  	s6 =	sand.u32 $0xC00, s6;
	v56 =	vmov s31  }
0x1ce: {  	s6 =	sor.u32 $0x30, s6;
	[tilespmem:v55+s22+$0x0] =	vst.idx.msk $0xffff, v6;
	v6 =	vshll.u32 v56, $0x5  }
0x1cf: {  	v57 =	vor.u32 s6, v5;
	v7 =	vld.idx.msk [tilespmem:v7+s14+$0x0], $0xffff;
	v6 =	vor.u32 v3, v6  }
0x1d0: {  	v6 =	vor.u32 v4, v6  }
0x1d1: {  	s6 =	sor.u32 $0xD, s0  }
0x1d2: {  	s10 =	sshll.u32 s10, $0x7;
	s31 =	sshll.u32 s6, $0x4  }
0x1d3: {  	s10 =	sand.u32 $0xC00, s10;
	v58 =	vmov s31  }
0x1d4: {  	s10 =	sor.u32 $0x40, s10;
	[tilespmem:v57+s22+$0x0] =	vst.idx.msk $0xffff, v7;
	v7 =	vshll.u32 v58, $0x5  }
0x1d5: {  	v59 =	vor.u32 s10, v5;
	v6 =	vld.idx.msk [tilespmem:v6+s14+$0x0], $0xffff;
	v7 =	vor.u32 v3, v7  }
0x1d6: {  	v7 =	vor.u32 v4, v7  }
0x1d7: {  	s10 =	sor.u32 $0xE, s0  }
0x1d8: {  	s6 =	sshll.u32 s6, $0x7;
	s31 =	sshll.u32 s10, $0x4  }
0x1d9: {  	s6 =	sand.u32 $0xC00, s6;
	v60 =	vmov s31  }
0x1da: {  	s6 =	sor.u32 $0x50, s6;
	[tilespmem:v59+s22+$0x0] =	vst.idx.msk $0xffff, v6;
	v6 =	vshll.u32 v60, $0x5  }
0x1db: {  	v61 =	vor.u32 s6, v5;
	v7 =	vld.idx.msk [tilespmem:v7+s14+$0x0], $0xffff;
	v6 =	vor.u32 v3, v6  }
0x1dc: {  	v6 =	vor.u32 v4, v6  }
0x1dd: {  	s0 =	sor.u32 $0xF, s0  }
0x1de: {  	s11 =	sshll.u32 s10, $0x7;
	s31 =	sshll.u32 s0, $0x4  }
0x1df: {  	s6 =	sand.u32 $0xC00, s11;
	v62 =	vmov s31  }
0x1e0: {  	s6 =	sor.u32 $0x60, s6;
	[tilespmem:v61+s22+$0x0] =	vst.idx.msk $0xffff, v7;
	v7 =	vshll.u32 v62, $0x5  }
0x1e1: {  	v63 =	vor.u32 s6, v5;
	v6 =	vld.idx.msk [tilespmem:v6+s14+$0x0], $0xffff;
	v7 =	vor.u32 v3, v7  }
0x1e2: {  	v7 =	vor.u32 v4, v7;
	_ =	sdelay $0x1  }
0x1e3: {  	s0 =	sshll.u32 s0, $0x7  }
0x1e4: {  	s0 =	sand.u32 $0xC00, s0  }
0x1e5: {  	s0 =	sor.u32 $0x70, s0;
	[tilespmem:v63+s22+$0x0] =	vst.idx.msk $0xffff, v6  }
0x1e6: {  	p1 =	por p0, p0;
	v6 =	vld.idx.msk [tilespmem:v7+s14+$0x0], $0xffff;
	v7 =	vor.u32 s0, v5  }
.Ltmp7:
0x1e7: {  	_ = 	snop;
	(pc) =	sbr.rel @p1 .LBB2_16-.Ltmp7, $2  }
0x1e8: {  	_ =	sdelay $0x2  }
0x1e9: {  	p0 =	por $0x0, $0x0;
	s0 =	simm.s32 $0x10;
	[tilespmem:v7+s22+$0x0] =	vst.idx.msk $0xffff, v6  }
0x1ea: {  	p0 =	slt.u32 s1, $0x1E  }
.Ltmp8:
0x1eb: {  	_ = 	snop;
	(pc) =	sbr.rel @p0 .LBB2_13-.Ltmp8, $3  }
0x1ec: {  	_ =	sdelay $0x1  }
0x1ed: {  	s0 =	sadd.s32 $0x2, s1  }
0x1ee: {  	s1 =	smov.u32 s0  }
0x1ef: {  	s0 =	sadd.s32 s5, s30  }
0x1f0: {  	s1 =	sshll.u32 s0, $0xB;
	s0 =	sshll.u32 s0, $0x9  }
0x1f1: {  	s1 =	sand.u32 $0xFFF0000, s1;
	s0 =	sand.u32 $0x3E00, s0  }
0x1f2: {  	s0 =	sor.u32 s0, s1  }
0x1f3: {  	s29 =	sadd.s32 $0x1, s29;
	s1 =	sadd.s32 s2, s0  }
0x1f4: {  	[hbm4b:s1+s3] =	stream.linear.scatter [tilespmem:s22], [sflag:$0x4], $0x1000, $0x38;
	[tilespmem:$0x16400] =	vst v63  }
0x1f5: {  	p0 =	sne.s32 s29, $0x19;
	s30 =	sadd.s32 s0, s7  }
0x1f6: {  	[hbm4b:s30+s3] =	stream.linear.scatter [tilespmem:s23], [sflag:$0x4], $0x1000, $0x38;
	[tilespmem:$0x16400] =	vst v63  }
.Ltmp9:
0x1f7: {  	_ = 	snop;
	(pc) =	sbr.rel @p0 .LBB2_2-.Ltmp9, $4  }
0x1f8: {  	s31 =	sadd.s32 s0, s8  }
0x1f9: {  	[hbm4b:s31+s3] =	stream.linear.scatter [tilespmem:s24], [sflag:$0x4], $0x1000, $0x38;
	[tilespmem:$0x16400] =	vst v63  }
0x1fa: {  	s0 =	sadd.s32 s0, s9  }
0x1fb: {  	[hbm4b:s0+s3] =	stream.linear.scatter [tilespmem:s25], [sflag:$0x4], $0x1000, $0x38;
	[tilespmem:$0x16400] =	vst v63  }
0x1fc: {  	_ =	swait.ge [sflag:s26], $0x1000  }
0x1fd: {  	[sflag:s26] =	ssyncset.done $0x0  }
0x1fe: {  	[sflag:s26] =	ssyncadd.s32 $0xFFFFF000  }
0x1ff: {  	_ =	swait.ge [sflag:s26], $0x1000  }
0x200: {  	[sflag:s26] =	ssyncset.done $0x0  }
0x201: {  	[sflag:s26] =	ssyncadd.s32 $0xFFFFF000  }
0x202: {  	_ =	swait.ge [sflag:s26], $0x1000  }
0x203: {  	[sflag:s26] =	ssyncset.done $0x0  }
0x204: {  	[sflag:s26] =	ssyncadd.s32 $0xFFFFF000  }
0x205: {  	_ =	swait.ge [sflag:s26], $0x1000  }
0x206: {  	[sflag:s26] =	ssyncset.done $0x0  }
0x207: {  	[sflag:s26] =	ssyncadd.s32 $0xFFFFF000  }
0x208: {  	_ =	swait.ge [sflag:s21], $0x1000  }
0x209: {  	[sflag:s21] =	ssyncset.done $0x0  }
0x20a: {  	[sflag:s21] =	ssyncadd.s32 $0xFFFFF000  }
0x20b: {  	_ =	swait.ge [sflag:s21], $0x1000  }
0x20c: {  	[sflag:s21] =	ssyncset.done $0x0  }
0x20d: {  	[sflag:s21] =	ssyncadd.s32 $0xFFFFF000  }
0x20e: {  	_ =	swait.ge [sflag:s21], $0x1000  }
0x20f: {  	[sflag:s21] =	ssyncset.done $0x0  }
0x210: {  	[sflag:s21] =	ssyncadd.s32 $0xFFFFF000  }
0x211: {  	_ =	swait.ge [sflag:s21], $0x1000  }
0x212: {  	s28 =	sadd.s32 $0x1, s28;
	s0 =	rddreg [dreg:$0x5]  }
0x213: {  	p0 =	sne.s32 s28, s0  }
.Ltmp10:
0x214: {  	_ = 	snop;
	(pc) =	sbr.rel @p0 .LBB2_1-.Ltmp10, $3  }
0x215: {  	_ =	sdelay $0x1  }
0x216: {  	[sflag:s21] =	ssyncset.done $0x0  }
0x217: {  	[sflag:s21] =	ssyncadd.s32 $0xFFFFF000  }
0x218: {  	_ =	sfence.sel $0x180000  }
0x219: {  	[bflag:$0x0] =	sbarrier.arrive $0xFFFF  }
0x21a: {  	_ =	strace $0x90000047  }
0x21b: {  	s0 =	stileid.u32;
	[bflag:$0x2] =	sbarrier.arrive $0xFFFF  }
0x21c: {  	p0 =	sne.s32 s0, $0x0;
	s0 =	rddreg [dreg:$0x3]  }
0x21d: {  	s0 =	sadd.s32 @!p0 $0x100000, s0  }
0x21e: {  	[sflag:s0] =	ssyncadd.tile.s32 @!p0 $0x1;
	_ =	shalt  }
.Lfunc_end2:
_tile_overlayer_lowered:
.L_overlay_start_2:
0x21f: {  	(tag) =	ssettag $0x2  }
0x220: {  	s0 =	rddreg [dreg:$0x0];
	s2 =	stileid.u32  }
0x221: {  	s1 =	rddreg [dreg:$0x1];
	p0 =	sne.s32 s2, $0x0  }
0x222: {  	s3 =	rddreg [dreg:$0x2];
	[bflag:$0x3] =	sbarrier.arrive $0xFFFF;
	s2 =	simm.s32 @!p0 $0x1C05  }
0x223: {  	[timem:s3], [sflag:s2] =	dma.local @!p0 [hbm:s0], s1  }
0x224: {  	s0 =	simm.s32 @!p0 $0x5  }
0x225: {  	_ =	swait.ge @!p0 [sflag:s0], s1  }
0x226: {  	s1 =	ssub.s32 @!p0 $0x0, s1;
	[sflag:s0] =	ssyncset.done @!p0 $0x0  }
0x227: {  	[sflag:s0] =	ssyncadd.s32 @!p0 s1  }
0x228: {  	[bflag:$0x3] =	sbarrier.arrive $0xFFFF  }
0x229: {  	_ =	shalt  }

</sc_bundles>
